<compile_context>
chip_gen: v7x
topology: tpu7x:2x2x1
jax: 0.10.2.dev20260603
libtpu: 0.0.44.dev20260713+nightly
codegen_flags: <defaults>
</compile_context>

<pallas_src>
import functools

import jax
import jax.numpy as jnp
from jax import lax
from jax.experimental import pallas as pl
from jax.experimental.pallas import tpu as pltpu
from jax.experimental.pallas import tpu_sc as plsc

D = 64
SCALE = 8.0
B_TOTAL = 4096 * 200
NC = 2
NS = 16
NW = NC * NS
B_PER_W = B_TOTAL // NW
CHUNK = 128
NBUF = 4
N_CHUNKS = B_PER_W // CHUNK

assert B_PER_W * NW == B_TOTAL
assert N_CHUNKS * CHUNK == B_PER_W
assert (N_CHUNKS - 2 * NBUF) % NBUF == 0


def _scale_chunk(rin, rout, b):
    def row(r, carry):
        for j in range(D // 16):
            s = pl.ds(j * 16, 16)
            rout[b, r, s] = rin[b, r, s] * SCALE
        return carry
    lax.fori_loop(0, CHUNK, row, 0)


def _make_emb():
    mesh = plsc.VectorSubcoreMesh(core_axis_name="c", subcore_axis_name="s")

    @functools.partial(
        pl.kernel,
        mesh=mesh,
        out_type=jax.ShapeDtypeStruct((B_TOTAL, 2 * D), jnp.float32),
        compiler_params=pltpu.CompilerParams(use_tc_tiling_on_sc=False),
        scratch_types=(
            [pltpu.VMEM((B_PER_W,), jnp.int32),
             pltpu.VMEM((NBUF, CHUNK, D), jnp.float32),
             pltpu.VMEM((NBUF, CHUNK, D), jnp.float32)]
            + [pltpu.SemaphoreType.DMA] * (1 + 2 * NBUF)
        ),
    )
    def emb(x_hbm, table_hbm, out_hbm, idx_v, rin_v, rout_v, *sems):
        isem = sems[0]
        gsem = sems[1:1 + NBUF]
        ssem = sems[1 + NBUF:]
        wid = lax.axis_index("s") * NC + lax.axis_index("c")
        base = wid * B_PER_W

        pltpu.async_copy(x_hbm.at[pl.ds(base, B_PER_W)], idx_v, isem)
        pltpu.make_async_copy(
            x_hbm.at[pl.ds(base, B_PER_W)], idx_v, isem).wait()

        def issue_gather(g, b):
            pltpu.async_copy(
                table_hbm.at[idx_v.at[pl.ds(g * CHUNK, CHUNK)]],
                rin_v.at[b], gsem[b])

        def wait_gather(b):
            pltpu.make_async_copy(
                table_hbm.at[idx_v.at[pl.ds(0, CHUNK)]], rin_v.at[b],
                gsem[b]).wait()

        def issue_scatter(g, b):
            off = base + g * CHUNK
            pltpu.async_copy(
                rout_v.at[b],
                out_hbm.at[pl.ds(off, CHUNK), pl.ds(0, D)], ssem[b])

        def wait_scatter(g, b):
            off = base + g * CHUNK
            pltpu.make_async_copy(
                rout_v.at[b],
                out_hbm.at[pl.ds(off, CHUNK), pl.ds(0, D)], ssem[b]).wait()

        for b in range(NBUF):
            issue_gather(b, b)

        for b in range(NBUF):
            wait_gather(b)
            _scale_chunk(rin_v, rout_v, b)
            issue_scatter(b, b)
            issue_gather(b + NBUF, b)

        def outer(i, carry):
            g0 = NBUF + i * NBUF
            for b in range(NBUF):
                g = g0 + b
                wait_gather(b)
                wait_scatter(g, b)
                _scale_chunk(rin_v, rout_v, b)
                issue_scatter(g, b)
                issue_gather(g + NBUF, b)
            return carry
        lax.fori_loop(0, (N_CHUNKS - 2 * NBUF) // NBUF, outer, 0)

        for b in range(NBUF):
            g = N_CHUNKS - NBUF + b
            wait_gather(b)
            wait_scatter(g, b)
            _scale_chunk(rin_v, rout_v, b)
            issue_scatter(g, b)

        for b in range(NBUF):
            wait_scatter(N_CHUNKS - NBUF + b, b)

    return emb


_emb = _make_emb()


def kernel(x, table):
    out = _emb(x.reshape(B_TOTAL).astype(jnp.int32), table)
    return out[:, :D].reshape(4096, 200, D)

# --- scband reference (transcript-rebuilt; emitter-appended) ---
"""Pipeline reference for scband-embedding-23158463660760 (READ-ONLY COPY).

The authoritative reference and input builder live on the scoring server;
editing this copy changes nothing except your own understanding.
"""

import jax, jax.numpy as jnp
import numpy as np
import math

VOCAB = 1000000
D_MODEL = 64

def setup_inputs(seed: int = 0) -> dict:
    key = jax.random.key(seed)
    k1, k2 = jax.random.split(key)
    x = jax.random.randint(k1, (4096, 200), 0, VOCAB, dtype=jnp.int64 if jax.config.jax_enable_x64 else jnp.int32)
    table = jax.random.normal(k2, (VOCAB, D_MODEL), dtype=jnp.float32)
    return {"x": x, "table": table}

def reference(x, table):
    # Faithful translation of: self.emb(x) * math.sqrt(self.d_model)
    emb = jnp.take(table, x, axis=0)
    return emb * math.sqrt(D_MODEL)

if __name__ == "__main__":
    import jax
    _d = setup_inputs()
    print(jax.jit(kernel)(*tuple(_d.values())))

</pallas_src>

<mosaic_0001>
#map = affine_map<(d0, d1) -> (0)>
#map1 = affine_map<(d0, d1) -> (0, 0)>
module attributes {stable_mosaic.version = 14 : i64} {
  func.func @emb(%arg0: i32, %arg1: i32, %arg2: memref<819200xi32, #tpu.memory_space<hbm>>, %arg3: memref<1000000x64xf32, #tpu.memory_space<hbm>>, %arg4: memref<819200x128xf32, #tpu.memory_space<hbm>>, %arg5: memref<25600xi32, #tpu.memory_space<vmem>>, %arg6: memref<4x128x64xf32, #tpu.memory_space<vmem>>, %arg7: memref<4x128x64xf32, #tpu.memory_space<vmem>>, %arg8: memref<!tpu.dma_semaphore, #tpu.memory_space<semaphore_mem>>, %arg9: memref<!tpu.dma_semaphore, #tpu.memory_space<semaphore_mem>>, %arg10: memref<!tpu.dma_semaphore, #tpu.memory_space<semaphore_mem>>, %arg11: memref<!tpu.dma_semaphore, #tpu.memory_space<semaphore_mem>>, %arg12: memref<!tpu.dma_semaphore, #tpu.memory_space<semaphore_mem>>, %arg13: memref<!tpu.dma_semaphore, #tpu.memory_space<semaphore_mem>>, %arg14: memref<!tpu.dma_semaphore, #tpu.memory_space<semaphore_mem>>, %arg15: memref<!tpu.dma_semaphore, #tpu.memory_space<semaphore_mem>>, %arg16: memref<!tpu.dma_semaphore, #tpu.memory_space<semaphore_mem>>) attributes {dimension_semantics = [#tpu.dimension_semantics<core_parallel>, #tpu.dimension_semantics<subcore_parallel>], iteration_bounds = array<i64: 2, 16>, scalar_prefetch = 0 : i64, scratch_operands = 12 : i64, tpu.core_type = #tpu.core_type<sc_vector_subcore>, window_params = [{transform_indices = #map}, {transform_indices = #map1}, {transform_indices = #map1}]} {
    %mul3A = arith.constant 2 : i32
    %mul3A_0 = arith.muli %arg1, %mul3A : i32
    %add3A = arith.addi %mul3A_0, %arg0 : i32
    %mul3A_1 = arith.constant 25600 : i32
    %mul3A_2 = arith.muli %add3A, %mul3A_1 : i32
    %dma_start3A = tpu.memref_slice %arg2[%mul3A_2] : memref<819200xi32, #tpu.memory_space<hbm>> -> memref<25600xi32, #tpu.memory_space<hbm>>
    %dma_start3A_3 = tpu.memref_slice %arg2[%mul3A_2] : memref<819200xi32, #tpu.memory_space<hbm>> -> memref<25600xi32, #tpu.memory_space<hbm>>
    tpu.enqueue_dma source(%dma_start3A_3 : memref<25600xi32, #tpu.memory_space<hbm>>) target(%arg5 : memref<25600xi32, #tpu.memory_space<vmem>>) target_semaphore(%arg8 : memref<!tpu.dma_semaphore, #tpu.memory_space<semaphore_mem>>)
    %dma_wait3A = tpu.memref_slice %arg2[%mul3A_2] : memref<819200xi32, #tpu.memory_space<hbm>> -> memref<25600xi32, #tpu.memory_space<hbm>>
    %dma_wait3A_4 = tpu.memref_slice %arg2[%mul3A_2] : memref<819200xi32, #tpu.memory_space<hbm>> -> memref<25600xi32, #tpu.memory_space<hbm>>
    tpu.wait_dma2 semaphore(%arg8 : memref<!tpu.dma_semaphore, #tpu.memory_space<semaphore_mem>>) src(%dma_wait3A_4 : memref<25600xi32, #tpu.memory_space<hbm>>) dst(%arg5 : memref<25600xi32, #tpu.memory_space<vmem>>)
    %dma_start3A_5 = arith.constant 0 : i32
    %dma_start3A_6 = arith.constant 0 : i32
    %dma_start3A_7 = arith.constant 0 : i32
    %dma_start3A_8 = tpu.memref_slice %arg6[%dma_start3A_5, %dma_start3A_6, %dma_start3A_7] : memref<4x128x64xf32, #tpu.memory_space<vmem>> -> memref<1x128x64xf32, #tpu.memory_space<vmem>>
    %dma_start3A_9 = tpu.memref_squeeze %dma_start3A_8 : memref<1x128x64xf32, #tpu.memory_space<vmem>> -> memref<128x64xf32, #tpu.memory_space<vmem>>
    %dma_start3A_10 = arith.constant 0 : i32
    %dma_start3A_11 = tpu.memref_slice %arg5[%dma_start3A_10] : memref<25600xi32, #tpu.memory_space<vmem>> -> memref<128xi32, #tpu.memory_space<vmem>>
    %dma_start3A_12 = arith.constant 0 : i32
    %dma_start3A_13 = arith.constant 0 : i32
    %dma_start3A_14 = tpu.memref_slice %arg3[%dma_start3A_12, %dma_start3A_13] : memref<1000000x64xf32, #tpu.memory_space<hbm>> -> memref<1000000x64xf32, #tpu.memory_space<hbm>>
    tpu.enqueue_indirect_dma source(%dma_start3A_14 : memref<1000000x64xf32, #tpu.memory_space<hbm>>) target(%dma_start3A_9 : memref<128x64xf32, #tpu.memory_space<vmem>>) offsets(%dma_start3A_11 : memref<128xi32, #tpu.memory_space<vmem>>) semaphore(%arg9 : memref<!tpu.dma_semaphore, #tpu.memory_space<semaphore_mem>>)
    %dma_start3A_15 = arith.constant 1 : i32
    %dma_start3A_16 = arith.constant 0 : i32
    %dma_start3A_17 = arith.constant 0 : i32
    %dma_start3A_18 = tpu.memref_slice %arg6[%dma_start3A_15, %dma_start3A_16, %dma_start3A_17] : memref<4x128x64xf32, #tpu.memory_space<vmem>> -> memref<1x128x64xf32, #tpu.memory_space<vmem>>
    %dma_start3A_19 = tpu.memref_squeeze %dma_start3A_18 : memref<1x128x64xf32, #tpu.memory_space<vmem>> -> memref<128x64xf32, #tpu.memory_space<vmem>>
    %dma_start3A_20 = arith.constant 128 : i32
    %dma_start3A_21 = tpu.memref_slice %arg5[%dma_start3A_20] : memref<25600xi32, #tpu.memory_space<vmem>> -> memref<128xi32, #tpu.memory_space<vmem>>
    %dma_start3A_22 = arith.constant 0 : i32
    %dma_start3A_23 = arith.constant 0 : i32
    %dma_start3A_24 = tpu.memref_slice %arg3[%dma_start3A_22, %dma_start3A_23] : memref<1000000x64xf32, #tpu.memory_space<hbm>> -> memref<1000000x64xf32, #tpu.memory_space<hbm>>
    tpu.enqueue_indirect_dma source(%dma_start3A_24 : memref<1000000x64xf32, #tpu.memory_space<hbm>>) target(%dma_start3A_19 : memref<128x64xf32, #tpu.memory_space<vmem>>) offsets(%dma_start3A_21 : memref<128xi32, #tpu.memory_space<vmem>>) semaphore(%arg10 : memref<!tpu.dma_semaphore, #tpu.memory_space<semaphore_mem>>)
    %dma_start3A_25 = arith.constant 2 : i32
    %dma_start3A_26 = arith.constant 0 : i32
    %dma_start3A_27 = arith.constant 0 : i32
    %dma_start3A_28 = tpu.memref_slice %arg6[%dma_start3A_25, %dma_start3A_26, %dma_start3A_27] : memref<4x128x64xf32, #tpu.memory_space<vmem>> -> memref<1x128x64xf32, #tpu.memory_space<vmem>>
    %dma_start3A_29 = tpu.memref_squeeze %dma_start3A_28 : memref<1x128x64xf32, #tpu.memory_space<vmem>> -> memref<128x64xf32, #tpu.memory_space<vmem>>
    %dma_start3A_30 = arith.constant 256 : i32
    %dma_start3A_31 = tpu.memref_slice %arg5[%dma_start3A_30] : memref<25600xi32, #tpu.memory_space<vmem>> -> memref<128xi32, #tpu.memory_space<vmem>>
    %dma_start3A_32 = arith.constant 0 : i32
    %dma_start3A_33 = arith.constant 0 : i32
    %dma_start3A_34 = tpu.memref_slice %arg3[%dma_start3A_32, %dma_start3A_33] : memref<1000000x64xf32, #tpu.memory_space<hbm>> -> memref<1000000x64xf32, #tpu.memory_space<hbm>>
    tpu.enqueue_indirect_dma source(%dma_start3A_34 : memref<1000000x64xf32, #tpu.memory_space<hbm>>) target(%dma_start3A_29 : memref<128x64xf32, #tpu.memory_space<vmem>>) offsets(%dma_start3A_31 : memref<128xi32, #tpu.memory_space<vmem>>) semaphore(%arg11 : memref<!tpu.dma_semaphore, #tpu.memory_space<semaphore_mem>>)
    %dma_start3A_35 = arith.constant 3 : i32
    %dma_start3A_36 = arith.constant 0 : i32
    %dma_start3A_37 = arith.constant 0 : i32
    %dma_start3A_38 = tpu.memref_slice %arg6[%dma_start3A_35, %dma_start3A_36, %dma_start3A_37] : memref<4x128x64xf32, #tpu.memory_space<vmem>> -> memref<1x128x64xf32, #tpu.memory_space<vmem>>
    %dma_start3A_39 = tpu.memref_squeeze %dma_start3A_38 : memref<1x128x64xf32, #tpu.memory_space<vmem>> -> memref<128x64xf32, #tpu.memory_space<vmem>>
    %dma_start3A_40 = arith.constant 384 : i32
    %dma_start3A_41 = tpu.memref_slice %arg5[%dma_start3A_40] : memref<25600xi32, #tpu.memory_space<vmem>> -> memref<128xi32, #tpu.memory_space<vmem>>
    %dma_start3A_42 = arith.constant 0 : i32
    %dma_start3A_43 = arith.constant 0 : i32
    %dma_start3A_44 = tpu.memref_slice %arg3[%dma_start3A_42, %dma_start3A_43] : memref<1000000x64xf32, #tpu.memory_space<hbm>> -> memref<1000000x64xf32, #tpu.memory_space<hbm>>
    tpu.enqueue_indirect_dma source(%dma_start3A_44 : memref<1000000x64xf32, #tpu.memory_space<hbm>>) target(%dma_start3A_39 : memref<128x64xf32, #tpu.memory_space<vmem>>) offsets(%dma_start3A_41 : memref<128xi32, #tpu.memory_space<vmem>>) semaphore(%arg12 : memref<!tpu.dma_semaphore, #tpu.memory_space<semaphore_mem>>)
    %dma_wait3A_45 = arith.constant 0 : i32
    %dma_wait3A_46 = arith.constant 0 : i32
    %dma_wait3A_47 = arith.constant 0 : i32
    %dma_wait3A_48 = tpu.memref_slice %arg6[%dma_wait3A_45, %dma_wait3A_46, %dma_wait3A_47] : memref<4x128x64xf32, #tpu.memory_space<vmem>> -> memref<1x128x64xf32, #tpu.memory_space<vmem>>
    %dma_wait3A_49 = tpu.memref_squeeze %dma_wait3A_48 : memref<1x128x64xf32, #tpu.memory_space<vmem>> -> memref<128x64xf32, #tpu.memory_space<vmem>>
    %dma_wait3A_50 = arith.constant 0 : i32
    %dma_wait3A_51 = tpu.memref_slice %arg5[%dma_wait3A_50] : memref<25600xi32, #tpu.memory_space<vmem>> -> memref<128xi32, #tpu.memory_space<vmem>>
    %dma_wait3A_52 = arith.constant 0 : i32
    %dma_wait3A_53 = arith.constant 0 : i32
    %dma_wait3A_54 = tpu.memref_slice %arg3[%dma_wait3A_52, %dma_wait3A_53] : memref<1000000x64xf32, #tpu.memory_space<hbm>> -> memref<1000000x64xf32, #tpu.memory_space<hbm>>
    tpu.wait_indirect_dma semaphore(%arg9 : memref<!tpu.dma_semaphore, #tpu.memory_space<semaphore_mem>>) src(%dma_wait3A_54 : memref<1000000x64xf32, #tpu.memory_space<hbm>>) dst(%dma_wait3A_49 : memref<128x64xf32, #tpu.memory_space<vmem>>)
    %scan3A = arith.constant 0 : i32
    %scan3A_55 = arith.constant 0 : i32
    %scan3A_56 = arith.constant 128 : i32
    %scan3A_57 = arith.addi %scan3A_55, %scan3A_56 : i32
    %scan3A_58 = arith.constant 1 : i32
    scf.for %scan3A_458 = %scan3A_55 to %scan3A_57 step %scan3A_58  : i32 {
      %get3A = arith.constant 0 : i32
      %get3A_459 = arith.index_cast %get3A : i32 to index
      %get3A_460 = arith.index_cast %scan3A_458 : i32 to index
      %get3A_461 = arith.constant 0 : index
      %get3A_462 = tpu.vector_load %arg6[%get3A_459, %get3A_460, %get3A_461] {strides = array<i32>} : memref<4x128x64xf32, #tpu.memory_space<vmem>>, vector<1x1x16xf32>,
      %get3A_463 = vector.shape_cast %get3A_462 : vector<1x1x16xf32> to vector<16xf32>
      %mul3A_464 = arith.constant 8.000000e+00 : f32
      %mul3A_465 = vector.broadcast %mul3A_464 : f32 to vector<16xf32>
      %mul3A_466 = arith.mulf %get3A_463, %mul3A_465 : vector<16xf32>
      %swap3A = arith.constant 0 : i32
      %swap3A_467 = arith.index_cast %swap3A : i32 to index
      %swap3A_468 = arith.index_cast %scan3A_458 : i32 to index
      %swap3A_469 = arith.constant 0 : index
      %swap3A_470 = tpu.vector_load %arg7[%swap3A_467, %swap3A_468, %swap3A_469] {strides = array<i32>} : memref<4x128x64xf32, #tpu.memory_space<vmem>>, vector<1x1x16xf32>,
      %swap3A_471 = vector.shape_cast %swap3A_470 : vector<1x1x16xf32> to vector<16xf32>
      %swap3A_472 = vector.shape_cast %mul3A_466 : vector<16xf32> to vector<1x1x16xf32>
      tpu.vector_store %arg7[%swap3A_467, %swap3A_468, %swap3A_469], %swap3A_472 {strides = array<i32>} : memref<4x128x64xf32, #tpu.memory_space<vmem>>, vector<1x1x16xf32>,
      %get3A_473 = arith.constant 0 : i32
      %get3A_474 = arith.index_cast %get3A_473 : i32 to index
      %get3A_475 = arith.index_cast %scan3A_458 : i32 to index
      %get3A_476 = arith.constant 16 : index
      %get3A_477 = tpu.vector_load %arg6[%get3A_474, %get3A_475, %get3A_476] {strides = array<i32>} : memref<4x128x64xf32, #tpu.memory_space<vmem>>, vector<1x1x16xf32>,
      %get3A_478 = vector.shape_cast %get3A_477 : vector<1x1x16xf32> to vector<16xf32>
      %mul3A_479 = arith.constant 8.000000e+00 : f32
      %mul3A_480 = vector.broadcast %mul3A_479 : f32 to vector<16xf32>
      %mul3A_481 = arith.mulf %get3A_478, %mul3A_480 : vector<16xf32>
      %swap3A_482 = arith.constant 0 : i32
      %swap3A_483 = arith.index_cast %swap3A_482 : i32 to index
      %swap3A_484 = arith.index_cast %scan3A_458 : i32 to index
      %swap3A_485 = arith.constant 16 : index
      %swap3A_486 = tpu.vector_load %arg7[%swap3A_483, %swap3A_484, %swap3A_485] {strides = array<i32>} : memref<4x128x64xf32, #tpu.memory_space<vmem>>, vector<1x1x16xf32>,
      %swap3A_487 = vector.shape_cast %swap3A_486 : vector<1x1x16xf32> to vector<16xf32>
      %swap3A_488 = vector.shape_cast %mul3A_481 : vector<16xf32> to vector<1x1x16xf32>
      tpu.vector_store %arg7[%swap3A_483, %swap3A_484, %swap3A_485], %swap3A_488 {strides = array<i32>} : memref<4x128x64xf32, #tpu.memory_space<vmem>>, vector<1x1x16xf32>,
      %get3A_489 = arith.constant 0 : i32
      %get3A_490 = arith.index_cast %get3A_489 : i32 to index
      %get3A_491 = arith.index_cast %scan3A_458 : i32 to index
      %get3A_492 = arith.constant 32 : index
      %get3A_493 = tpu.vector_load %arg6[%get3A_490, %get3A_491, %get3A_492] {strides = array<i32>} : memref<4x128x64xf32, #tpu.memory_space<vmem>>, vector<1x1x16xf32>,
      %get3A_494 = vector.shape_cast %get3A_493 : vector<1x1x16xf32> to vector<16xf32>
      %mul3A_495 = arith.constant 8.000000e+00 : f32
      %mul3A_496 = vector.broadcast %mul3A_495 : f32 to vector<16xf32>
      %mul3A_497 = arith.mulf %get3A_494, %mul3A_496 : vector<16xf32>
      %swap3A_498 = arith.constant 0 : i32
      %swap3A_499 = arith.index_cast %swap3A_498 : i32 to index
      %swap3A_500 = arith.index_cast %scan3A_458 : i32 to index
      %swap3A_501 = arith.constant 32 : index
      %swap3A_502 = tpu.vector_load %arg7[%swap3A_499, %swap3A_500, %swap3A_501] {strides = array<i32>} : memref<4x128x64xf32, #tpu.memory_space<vmem>>, vector<1x1x16xf32>,
      %swap3A_503 = vector.shape_cast %swap3A_502 : vector<1x1x16xf32> to vector<16xf32>
      %swap3A_504 = vector.shape_cast %mul3A_497 : vector<16xf32> to vector<1x1x16xf32>
      tpu.vector_store %arg7[%swap3A_499, %swap3A_500, %swap3A_501], %swap3A_504 {strides = array<i32>} : memref<4x128x64xf32, #tpu.memory_space<vmem>>, vector<1x1x16xf32>,
      %get3A_505 = arith.constant 0 : i32
      %get3A_506 = arith.index_cast %get3A_505 : i32 to index
      %get3A_507 = arith.index_cast %scan3A_458 : i32 to index
      %get3A_508 = arith.constant 48 : index
      %get3A_509 = tpu.vector_load %arg6[%get3A_506, %get3A_507, %get3A_508] {strides = array<i32>} : memref<4x128x64xf32, #tpu.memory_space<vmem>>, vector<1x1x16xf32>,
      %get3A_510 = vector.shape_cast %get3A_509 : vector<1x1x16xf32> to vector<16xf32>
      %mul3A_511 = arith.constant 8.000000e+00 : f32
      %mul3A_512 = vector.broadcast %mul3A_511 : f32 to vector<16xf32>
      %mul3A_513 = arith.mulf %get3A_510, %mul3A_512 : vector<16xf32>
      %swap3A_514 = arith.constant 0 : i32
      %swap3A_515 = arith.index_cast %swap3A_514 : i32 to index
      %swap3A_516 = arith.index_cast %scan3A_458 : i32 to index
      %swap3A_517 = arith.constant 48 : index
      %swap3A_518 = tpu.vector_load %arg7[%swap3A_515, %swap3A_516, %swap3A_517] {strides = array<i32>} : memref<4x128x64xf32, #tpu.memory_space<vmem>>, vector<1x1x16xf32>,
      %swap3A_519 = vector.shape_cast %swap3A_518 : vector<1x1x16xf32> to vector<16xf32>
      %swap3A_520 = vector.shape_cast %mul3A_513 : vector<16xf32> to vector<1x1x16xf32>
      tpu.vector_store %arg7[%swap3A_515, %swap3A_516, %swap3A_517], %swap3A_520 {strides = array<i32>} : memref<4x128x64xf32, #tpu.memory_space<vmem>>, vector<1x1x16xf32>,
    }
    %scan3A_59 = arith.constant 128 : i32
    %add3A_60 = arith.constant 0 : i32
    %add3A_61 = arith.addi %mul3A_2, %add3A_60 : i32
    %dma_start3A_62 = arith.constant 0 : i32
    %dma_start3A_63 = arith.constant 0 : i32
    %dma_start3A_64 = arith.constant 0 : i32
    %dma_start3A_65 = tpu.memref_slice %arg7[%dma_start3A_62, %dma_start3A_63, %dma_start3A_64] : memref<4x128x64xf32, #tpu.memory_space<vmem>> -> memref<1x128x64xf32, #tpu.memory_space<vmem>>
    %dma_start3A_66 = tpu.memref_squeeze %dma_start3A_65 : memref<1x128x64xf32, #tpu.memory_space<vmem>> -> memref<128x64xf32, #tpu.memory_space<vmem>>
    %dma_start3A_67 = arith.constant 0 : i32
    %dma_start3A_68 = tpu.memref_slice %arg4[%add3A_61, %dma_start3A_67] : memref<819200x128xf32, #tpu.memory_space<hbm>> -> memref<128x64xf32, #tpu.memory_space<hbm>>
    %dma_start3A_69 = arith.constant 0 : i32
    %dma_start3A_70 = tpu.memref_slice %arg4[%add3A_61, %dma_start3A_69] : memref<819200x128xf32, #tpu.memory_space<hbm>> -> memref<128x64xf32, #tpu.memory_space<hbm>>
    %dma_start3A_71 = arith.constant 0 : i32
    %dma_start3A_72 = arith.constant 0 : i32
    %dma_start3A_73 = tpu.memref_slice %arg7[%dma_start3A_62, %dma_start3A_71, %dma_start3A_72] : memref<4x128x64xf32, #tpu.memory_space<vmem>> -> memref<1x128x64xf32, #tpu.memory_space<vmem>>
    %dma_start3A_74 = tpu.memref_squeeze %dma_start3A_73 : memref<1x128x64xf32, #tpu.memory_space<vmem>> -> memref<128x64xf32, #tpu.memory_space<vmem>>
    tpu.enqueue_dma source(%dma_start3A_74 : memref<128x64xf32, #tpu.memory_space<vmem>>) target(%dma_start3A_70 : memref<128x64xf32, #tpu.memory_space<hbm>>) target_semaphore(%arg13 : memref<!tpu.dma_semaphore, #tpu.memory_space<semaphore_mem>>)
    %dma_start3A_75 = arith.constant 0 : i32
    %dma_start3A_76 = arith.constant 0 : i32
    %dma_start3A_77 = arith.constant 0 : i32
    %dma_start3A_78 = tpu.memref_slice %arg6[%dma_start3A_75, %dma_start3A_76, %dma_start3A_77] : memref<4x128x64xf32, #tpu.memory_space<vmem>> -> memref<1x128x64xf32, #tpu.memory_space<vmem>>
    %dma_start3A_79 = tpu.memref_squeeze %dma_start3A_78 : memref<1x128x64xf32, #tpu.memory_space<vmem>> -> memref<128x64xf32, #tpu.memory_space<vmem>>
    %dma_start3A_80 = arith.constant 512 : i32
    %dma_start3A_81 = tpu.memref_slice %arg5[%dma_start3A_80] : memref<25600xi32, #tpu.memory_space<vmem>> -> memref<128xi32, #tpu.memory_space<vmem>>
    %dma_start3A_82 = arith.constant 0 : i32
    %dma_start3A_83 = arith.constant 0 : i32
    %dma_start3A_84 = tpu.memref_slice %arg3[%dma_start3A_82, %dma_start3A_83] : memref<1000000x64xf32, #tpu.memory_space<hbm>> -> memref<1000000x64xf32, #tpu.memory_space<hbm>>
    tpu.enqueue_indirect_dma source(%dma_start3A_84 : memref<1000000x64xf32, #tpu.memory_space<hbm>>) target(%dma_start3A_79 : memref<128x64xf32, #tpu.memory_space<vmem>>) offsets(%dma_start3A_81 : memref<128xi32, #tpu.memory_space<vmem>>) semaphore(%arg9 : memref<!tpu.dma_semaphore, #tpu.memory_space<semaphore_mem>>)
    %dma_wait3A_85 = arith.constant 1 : i32
    %dma_wait3A_86 = arith.constant 0 : i32
    %dma_wait3A_87 = arith.constant 0 : i32
    %dma_wait3A_88 = tpu.memref_slice %arg6[%dma_wait3A_85, %dma_wait3A_86, %dma_wait3A_87] : memref<4x128x64xf32, #tpu.memory_space<vmem>> -> memref<1x128x64xf32, #tpu.memory_space<vmem>>
    %dma_wait3A_89 = tpu.memref_squeeze %dma_wait3A_88 : memref<1x128x64xf32, #tpu.memory_space<vmem>> -> memref<128x64xf32, #tpu.memory_space<vmem>>
    %dma_wait3A_90 = arith.constant 0 : i32
    %dma_wait3A_91 = tpu.memref_slice %arg5[%dma_wait3A_90] : memref<25600xi32, #tpu.memory_space<vmem>> -> memref<128xi32, #tpu.memory_space<vmem>>
    %dma_wait3A_92 = arith.constant 0 : i32
    %dma_wait3A_93 = arith.constant 0 : i32
    %dma_wait3A_94 = tpu.memref_slice %arg3[%dma_wait3A_92, %dma_wait3A_93] : memref<1000000x64xf32, #tpu.memory_space<hbm>> -> memref<1000000x64xf32, #tpu.memory_space<hbm>>
    tpu.wait_indirect_dma semaphore(%arg10 : memref<!tpu.dma_semaphore, #tpu.memory_space<semaphore_mem>>) src(%dma_wait3A_94 : memref<1000000x64xf32, #tpu.memory_space<hbm>>) dst(%dma_wait3A_89 : memref<128x64xf32, #tpu.memory_space<vmem>>)
    %scan3A_95 = arith.constant 0 : i32
    %scan3A_96 = arith.constant 0 : i32
    %scan3A_97 = arith.constant 128 : i32
    %scan3A_98 = arith.addi %scan3A_96, %scan3A_97 : i32
    %scan3A_99 = arith.constant 1 : i32
    scf.for %scan3A_458 = %scan3A_96 to %scan3A_98 step %scan3A_99  : i32 {
      %get3A = arith.constant 1 : i32
      %get3A_459 = arith.index_cast %get3A : i32 to index
      %get3A_460 = arith.index_cast %scan3A_458 : i32 to index
      %get3A_461 = arith.constant 0 : index
      %get3A_462 = tpu.vector_load %arg6[%get3A_459, %get3A_460, %get3A_461] {strides = array<i32>} : memref<4x128x64xf32, #tpu.memory_space<vmem>>, vector<1x1x16xf32>,
      %get3A_463 = vector.shape_cast %get3A_462 : vector<1x1x16xf32> to vector<16xf32>
      %mul3A_464 = arith.constant 8.000000e+00 : f32
      %mul3A_465 = vector.broadcast %mul3A_464 : f32 to vector<16xf32>
      %mul3A_466 = arith.mulf %get3A_463, %mul3A_465 : vector<16xf32>
      %swap3A = arith.constant 1 : i32
      %swap3A_467 = arith.index_cast %swap3A : i32 to index
      %swap3A_468 = arith.index_cast %scan3A_458 : i32 to index
      %swap3A_469 = arith.constant 0 : index
      %swap3A_470 = tpu.vector_load %arg7[%swap3A_467, %swap3A_468, %swap3A_469] {strides = array<i32>} : memref<4x128x64xf32, #tpu.memory_space<vmem>>, vector<1x1x16xf32>,
      %swap3A_471 = vector.shape_cast %swap3A_470 : vector<1x1x16xf32> to vector<16xf32>
      %swap3A_472 = vector.shape_cast %mul3A_466 : vector<16xf32> to vector<1x1x16xf32>
      tpu.vector_store %arg7[%swap3A_467, %swap3A_468, %swap3A_469], %swap3A_472 {strides = array<i32>} : memref<4x128x64xf32, #tpu.memory_space<vmem>>, vector<1x1x16xf32>,
      %get3A_473 = arith.constant 1 : i32
      %get3A_474 = arith.index_cast %get3A_473 : i32 to index
      %get3A_475 = arith.index_cast %scan3A_458 : i32 to index
      %get3A_476 = arith.constant 16 : index
      %get3A_477 = tpu.vector_load %arg6[%get3A_474, %get3A_475, %get3A_476] {strides = array<i32>} : memref<4x128x64xf32, #tpu.memory_space<vmem>>, vector<1x1x16xf32>,
      %get3A_478 = vector.shape_cast %get3A_477 : vector<1x1x16xf32> to vector<16xf32>
      %mul3A_479 = arith.constant 8.000000e+00 : f32
      %mul3A_480 = vector.broadcast %mul3A_479 : f32 to vector<16xf32>
      %mul3A_481 = arith.mulf %get3A_478, %mul3A_480 : vector<16xf32>
      %swap3A_482 = arith.constant 1 : i32
      %swap3A_483 = arith.index_cast %swap3A_482 : i32 to index
      %swap3A_484 = arith.index_cast %scan3A_458 : i32 to index
      %swap3A_485 = arith.constant 16 : index
      %swap3A_486 = tpu.vector_load %arg7[%swap3A_483, %swap3A_484, %swap3A_485] {strides = array<i32>} : memref<4x128x64xf32, #tpu.memory_space<vmem>>, vector<1x1x16xf32>,
      %swap3A_487 = vector.shape_cast %swap3A_486 : vector<1x1x16xf32> to vector<16xf32>
      %swap3A_488 = vector.shape_cast %mul3A_481 : vector<16xf32> to vector<1x1x16xf32>
      tpu.vector_store %arg7[%swap3A_483, %swap3A_484, %swap3A_485], %swap3A_488 {strides = array<i32>} : memref<4x128x64xf32, #tpu.memory_space<vmem>>, vector<1x1x16xf32>,
      %get3A_489 = arith.constant 1 : i32
      %get3A_490 = arith.index_cast %get3A_489 : i32 to index
      %get3A_491 = arith.index_cast %scan3A_458 : i32 to index
      %get3A_492 = arith.constant 32 : index
      %get3A_493 = tpu.vector_load %arg6[%get3A_490, %get3A_491, %get3A_492] {strides = array<i32>} : memref<4x128x64xf32, #tpu.memory_space<vmem>>, vector<1x1x16xf32>,
      %get3A_494 = vector.shape_cast %get3A_493 : vector<1x1x16xf32> to vector<16xf32>
      %mul3A_495 = arith.constant 8.000000e+00 : f32
      %mul3A_496 = vector.broadcast %mul3A_495 : f32 to vector<16xf32>
      %mul3A_497 = arith.mulf %get3A_494, %mul3A_496 : vector<16xf32>
      %swap3A_498 = arith.constant 1 : i32
      %swap3A_499 = arith.index_cast %swap3A_498 : i32 to index
      %swap3A_500 = arith.index_cast %scan3A_458 : i32 to index
      %swap3A_501 = arith.constant 32 : index
      %swap3A_502 = tpu.vector_load %arg7[%swap3A_499, %swap3A_500, %swap3A_501] {strides = array<i32>} : memref<4x128x64xf32, #tpu.memory_space<vmem>>, vector<1x1x16xf32>,
      %swap3A_503 = vector.shape_cast %swap3A_502 : vector<1x1x16xf32> to vector<16xf32>
      %swap3A_504 = vector.shape_cast %mul3A_497 : vector<16xf32> to vector<1x1x16xf32>
      tpu.vector_store %arg7[%swap3A_499, %swap3A_500, %swap3A_501], %swap3A_504 {strides = array<i32>} : memref<4x128x64xf32, #tpu.memory_space<vmem>>, vector<1x1x16xf32>,
      %get3A_505 = arith.constant 1 : i32
      %get3A_506 = arith.index_cast %get3A_505 : i32 to index
      %get3A_507 = arith.index_cast %scan3A_458 : i32 to index
      %get3A_508 = arith.constant 48 : index
      %get3A_509 = tpu.vector_load %arg6[%get3A_506, %get3A_507, %get3A_508] {strides = array<i32>} : memref<4x128x64xf32, #tpu.memory_space<vmem>>, vector<1x1x16xf32>,
      %get3A_510 = vector.shape_cast %get3A_509 : vector<1x1x16xf32> to vector<16xf32>
      %mul3A_511 = arith.constant 8.000000e+00 : f32
      %mul3A_512 = vector.broadcast %mul3A_511 : f32 to vector<16xf32>
      %mul3A_513 = arith.mulf %get3A_510, %mul3A_512 : vector<16xf32>
      %swap3A_514 = arith.constant 1 : i32
      %swap3A_515 = arith.index_cast %swap3A_514 : i32 to index
      %swap3A_516 = arith.index_cast %scan3A_458 : i32 to index
      %swap3A_517 = arith.constant 48 : index
      %swap3A_518 = tpu.vector_load %arg7[%swap3A_515, %swap3A_516, %swap3A_517] {strides = array<i32>} : memref<4x128x64xf32, #tpu.memory_space<vmem>>, vector<1x1x16xf32>,
      %swap3A_519 = vector.shape_cast %swap3A_518 : vector<1x1x16xf32> to vector<16xf32>
      %swap3A_520 = vector.shape_cast %mul3A_513 : vector<16xf32> to vector<1x1x16xf32>
      tpu.vector_store %arg7[%swap3A_515, %swap3A_516, %swap3A_517], %swap3A_520 {strides = array<i32>} : memref<4x128x64xf32, #tpu.memory_space<vmem>>, vector<1x1x16xf32>,
    }
    %scan3A_100 = arith.constant 128 : i32
    %add3A_101 = arith.constant 128 : i32
    %add3A_102 = arith.addi %mul3A_2, %add3A_101 : i32
    %dma_start3A_103 = arith.constant 1 : i32
    %dma_start3A_104 = arith.constant 0 : i32
    %dma_start3A_105 = arith.constant 0 : i32
    %dma_start3A_106 = tpu.memref_slice %arg7[%dma_start3A_103, %dma_start3A_104, %dma_start3A_105] : memref<4x128x64xf32, #tpu.memory_space<vmem>> -> memref<1x128x64xf32, #tpu.memory_space<vmem>>
    %dma_start3A_107 = tpu.memref_squeeze %dma_start3A_106 : memref<1x128x64xf32, #tpu.memory_space<vmem>> -> memref<128x64xf32, #tpu.memory_space<vmem>>
    %dma_start3A_108 = arith.constant 0 : i32
    %dma_start3A_109 = tpu.memref_slice %arg4[%add3A_102, %dma_start3A_108] : memref<819200x128xf32, #tpu.memory_space<hbm>> -> memref<128x64xf32, #tpu.memory_space<hbm>>
    %dma_start3A_110 = arith.constant 0 : i32
    %dma_start3A_111 = tpu.memref_slice %arg4[%add3A_102, %dma_start3A_110] : memref<819200x128xf32, #tpu.memory_space<hbm>> -> memref<128x64xf32, #tpu.memory_space<hbm>>
    %dma_start3A_112 = arith.constant 0 : i32
    %dma_start3A_113 = arith.constant 0 : i32
    %dma_start3A_114 = tpu.memref_slice %arg7[%dma_start3A_103, %dma_start3A_112, %dma_start3A_113] : memref<4x128x64xf32, #tpu.memory_space<vmem>> -> memref<1x128x64xf32, #tpu.memory_space<vmem>>
    %dma_start3A_115 = tpu.memref_squeeze %dma_start3A_114 : memref<1x128x64xf32, #tpu.memory_space<vmem>> -> memref<128x64xf32, #tpu.memory_space<vmem>>
    tpu.enqueue_dma source(%dma_start3A_115 : memref<128x64xf32, #tpu.memory_space<vmem>>) target(%dma_start3A_111 : memref<128x64xf32, #tpu.memory_space<hbm>>) target_semaphore(%arg14 : memref<!tpu.dma_semaphore, #tpu.memory_space<semaphore_mem>>)
    %dma_start3A_116 = arith.constant 1 : i32
    %dma_start3A_117 = arith.constant 0 : i32
    %dma_start3A_118 = arith.constant 0 : i32
    %dma_start3A_119 = tpu.memref_slice %arg6[%dma_start3A_116, %dma_start3A_117, %dma_start3A_118] : memref<4x128x64xf32, #tpu.memory_space<vmem>> -> memref<1x128x64xf32, #tpu.memory_space<vmem>>
    %dma_start3A_120 = tpu.memref_squeeze %dma_start3A_119 : memref<1x128x64xf32, #tpu.memory_space<vmem>> -> memref<128x64xf32, #tpu.memory_space<vmem>>
    %dma_start3A_121 = arith.constant 640 : i32
    %dma_start3A_122 = tpu.memref_slice %arg5[%dma_start3A_121] : memref<25600xi32, #tpu.memory_space<vmem>> -> memref<128xi32, #tpu.memory_space<vmem>>
    %dma_start3A_123 = arith.constant 0 : i32
    %dma_start3A_124 = arith.constant 0 : i32
    %dma_start3A_125 = tpu.memref_slice %arg3[%dma_start3A_123, %dma_start3A_124] : memref<1000000x64xf32, #tpu.memory_space<hbm>> -> memref<1000000x64xf32, #tpu.memory_space<hbm>>
    tpu.enqueue_indirect_dma source(%dma_start3A_125 : memref<1000000x64xf32, #tpu.memory_space<hbm>>) target(%dma_start3A_120 : memref<128x64xf32, #tpu.memory_space<vmem>>) offsets(%dma_start3A_122 : memref<128xi32, #tpu.memory_space<vmem>>) semaphore(%arg10 : memref<!tpu.dma_semaphore, #tpu.memory_space<semaphore_mem>>)
    %dma_wait3A_126 = arith.constant 2 : i32
    %dma_wait3A_127 = arith.constant 0 : i32
    %dma_wait3A_128 = arith.constant 0 : i32
    %dma_wait3A_129 = tpu.memref_slice %arg6[%dma_wait3A_126, %dma_wait3A_127, %dma_wait3A_128] : memref<4x128x64xf32, #tpu.memory_space<vmem>> -> memref<1x128x64xf32, #tpu.memory_space<vmem>>
    %dma_wait3A_130 = tpu.memref_squeeze %dma_wait3A_129 : memref<1x128x64xf32, #tpu.memory_space<vmem>> -> memref<128x64xf32, #tpu.memory_space<vmem>>
    %dma_wait3A_131 = arith.constant 0 : i32
    %dma_wait3A_132 = tpu.memref_slice %arg5[%dma_wait3A_131] : memref<25600xi32, #tpu.memory_space<vmem>> -> memref<128xi32, #tpu.memory_space<vmem>>
    %dma_wait3A_133 = arith.constant 0 : i32
    %dma_wait3A_134 = arith.constant 0 : i32
    %dma_wait3A_135 = tpu.memref_slice %arg3[%dma_wait3A_133, %dma_wait3A_134] : memref<1000000x64xf32, #tpu.memory_space<hbm>> -> memref<1000000x64xf32, #tpu.memory_space<hbm>>
    tpu.wait_indirect_dma semaphore(%arg11 : memref<!tpu.dma_semaphore, #tpu.memory_space<semaphore_mem>>) src(%dma_wait3A_135 : memref<1000000x64xf32, #tpu.memory_space<hbm>>) dst(%dma_wait3A_130 : memref<128x64xf32, #tpu.memory_space<vmem>>)
    %scan3A_136 = arith.constant 0 : i32
    %scan3A_137 = arith.constant 0 : i32
    %scan3A_138 = arith.constant 128 : i32
    %scan3A_139 = arith.addi %scan3A_137, %scan3A_138 : i32
    %scan3A_140 = arith.constant 1 : i32
    scf.for %scan3A_458 = %scan3A_137 to %scan3A_139 step %scan3A_140  : i32 {
      %get3A = arith.constant 2 : i32
      %get3A_459 = arith.index_cast %get3A : i32 to index
      %get3A_460 = arith.index_cast %scan3A_458 : i32 to index
      %get3A_461 = arith.constant 0 : index
      %get3A_462 = tpu.vector_load %arg6[%get3A_459, %get3A_460, %get3A_461] {strides = array<i32>} : memref<4x128x64xf32, #tpu.memory_space<vmem>>, vector<1x1x16xf32>,
      %get3A_463 = vector.shape_cast %get3A_462 : vector<1x1x16xf32> to vector<16xf32>
      %mul3A_464 = arith.constant 8.000000e+00 : f32
      %mul3A_465 = vector.broadcast %mul3A_464 : f32 to vector<16xf32>
      %mul3A_466 = arith.mulf %get3A_463, %mul3A_465 : vector<16xf32>
      %swap3A = arith.constant 2 : i32
      %swap3A_467 = arith.index_cast %swap3A : i32 to index
      %swap3A_468 = arith.index_cast %scan3A_458 : i32 to index
      %swap3A_469 = arith.constant 0 : index
      %swap3A_470 = tpu.vector_load %arg7[%swap3A_467, %swap3A_468, %swap3A_469] {strides = array<i32>} : memref<4x128x64xf32, #tpu.memory_space<vmem>>, vector<1x1x16xf32>,
      %swap3A_471 = vector.shape_cast %swap3A_470 : vector<1x1x16xf32> to vector<16xf32>
      %swap3A_472 = vector.shape_cast %mul3A_466 : vector<16xf32> to vector<1x1x16xf32>
      tpu.vector_store %arg7[%swap3A_467, %swap3A_468, %swap3A_469], %swap3A_472 {strides = array<i32>} : memref<4x128x64xf32, #tpu.memory_space<vmem>>, vector<1x1x16xf32>,
      %get3A_473 = arith.constant 2 : i32
      %get3A_474 = arith.index_cast %get3A_473 : i32 to index
      %get3A_475 = arith.index_cast %scan3A_458 : i32 to index
      %get3A_476 = arith.constant 16 : index
      %get3A_477 = tpu.vector_load %arg6[%get3A_474, %get3A_475, %get3A_476] {strides = array<i32>} : memref<4x128x64xf32, #tpu.memory_space<vmem>>, vector<1x1x16xf32>,
      %get3A_478 = vector.shape_cast %get3A_477 : vector<1x1x16xf32> to vector<16xf32>
      %mul3A_479 = arith.constant 8.000000e+00 : f32
      %mul3A_480 = vector.broadcast %mul3A_479 : f32 to vector<16xf32>
      %mul3A_481 = arith.mulf %get3A_478, %mul3A_480 : vector<16xf32>
      %swap3A_482 = arith.constant 2 : i32
      %swap3A_483 = arith.index_cast %swap3A_482 : i32 to index
      %swap3A_484 = arith.index_cast %scan3A_458 : i32 to index
      %swap3A_485 = arith.constant 16 : index
      %swap3A_486 = tpu.vector_load %arg7[%swap3A_483, %swap3A_484, %swap3A_485] {strides = array<i32>} : memref<4x128x64xf32, #tpu.memory_space<vmem>>, vector<1x1x16xf32>,
      %swap3A_487 = vector.shape_cast %swap3A_486 : vector<1x1x16xf32> to vector<16xf32>
      %swap3A_488 = vector.shape_cast %mul3A_481 : vector<16xf32> to vector<1x1x16xf32>
      tpu.vector_store %arg7[%swap3A_483, %swap3A_484, %swap3A_485], %swap3A_488 {strides = array<i32>} : memref<4x128x64xf32, #tpu.memory_space<vmem>>, vector<1x1x16xf32>,
      %get3A_489 = arith.constant 2 : i32
      %get3A_490 = arith.index_cast %get3A_489 : i32 to index
      %get3A_491 = arith.index_cast %scan3A_458 : i32 to index
      %get3A_492 = arith.constant 32 : index
      %get3A_493 = tpu.vector_load %arg6[%get3A_490, %get3A_491, %get3A_492] {strides = array<i32>} : memref<4x128x64xf32, #tpu.memory_space<vmem>>, vector<1x1x16xf32>,
      %get3A_494 = vector.shape_cast %get3A_493 : vector<1x1x16xf32> to vector<16xf32>
      %mul3A_495 = arith.constant 8.000000e+00 : f32
      %mul3A_496 = vector.broadcast %mul3A_495 : f32 to vector<16xf32>
      %mul3A_497 = arith.mulf %get3A_494, %mul3A_496 : vector<16xf32>
      %swap3A_498 = arith.constant 2 : i32
      %swap3A_499 = arith.index_cast %swap3A_498 : i32 to index
      %swap3A_500 = arith.index_cast %scan3A_458 : i32 to index
      %swap3A_501 = arith.constant 32 : index
      %swap3A_502 = tpu.vector_load %arg7[%swap3A_499, %swap3A_500, %swap3A_501] {strides = array<i32>} : memref<4x128x64xf32, #tpu.memory_space<vmem>>, vector<1x1x16xf32>,
      %swap3A_503 = vector.shape_cast %swap3A_502 : vector<1x1x16xf32> to vector<16xf32>
      %swap3A_504 = vector.shape_cast %mul3A_497 : vector<16xf32> to vector<1x1x16xf32>
      tpu.vector_store %arg7[%swap3A_499, %swap3A_500, %swap3A_501], %swap3A_504 {strides = array<i32>} : memref<4x128x64xf32, #tpu.memory_space<vmem>>, vector<1x1x16xf32>,
      %get3A_505 = arith.constant 2 : i32
      %get3A_506 = arith.index_cast %get3A_505 : i32 to index
      %get3A_507 = arith.index_cast %scan3A_458 : i32 to index
      %get3A_508 = arith.constant 48 : index
      %get3A_509 = tpu.vector_load %arg6[%get3A_506, %get3A_507, %get3A_508] {strides = array<i32>} : memref<4x128x64xf32, #tpu.memory_space<vmem>>, vector<1x1x16xf32>,
      %get3A_510 = vector.shape_cast %get3A_509 : vector<1x1x16xf32> to vector<16xf32>
      %mul3A_511 = arith.constant 8.000000e+00 : f32
      %mul3A_512 = vector.broadcast %mul3A_511 : f32 to vector<16xf32>
      %mul3A_513 = arith.mulf %get3A_510, %mul3A_512 : vector<16xf32>
      %swap3A_514 = arith.constant 2 : i32
      %swap3A_515 = arith.index_cast %swap3A_514 : i32 to index
      %swap3A_516 = arith.index_cast %scan3A_458 : i32 to index
      %swap3A_517 = arith.constant 48 : index
      %swap3A_518 = tpu.vector_load %arg7[%swap3A_515, %swap3A_516, %swap3A_517] {strides = array<i32>} : memref<4x128x64xf32, #tpu.memory_space<vmem>>, vector<1x1x16xf32>,
      %swap3A_519 = vector.shape_cast %swap3A_518 : vector<1x1x16xf32> to vector<16xf32>
      %swap3A_520 = vector.shape_cast %mul3A_513 : vector<16xf32> to vector<1x1x16xf32>
      tpu.vector_store %arg7[%swap3A_515, %swap3A_516, %swap3A_517], %swap3A_520 {strides = array<i32>} : memref<4x128x64xf32, #tpu.memory_space<vmem>>, vector<1x1x16xf32>,
    }
    %scan3A_141 = arith.constant 128 : i32
    %add3A_142 = arith.constant 256 : i32
    %add3A_143 = arith.addi %mul3A_2, %add3A_142 : i32
    %dma_start3A_144 = arith.constant 2 : i32
    %dma_start3A_145 = arith.constant 0 : i32
    %dma_start3A_146 = arith.constant 0 : i32
    %dma_start3A_147 = tpu.memref_slice %arg7[%dma_start3A_144, %dma_start3A_145, %dma_start3A_146] : memref<4x128x64xf32, #tpu.memory_space<vmem>> -> memref<1x128x64xf32, #tpu.memory_space<vmem>>
    %dma_start3A_148 = tpu.memref_squeeze %dma_start3A_147 : memref<1x128x64xf32, #tpu.memory_space<vmem>> -> memref<128x64xf32, #tpu.memory_space<vmem>>
    %dma_start3A_149 = arith.constant 0 : i32
    %dma_start3A_150 = tpu.memref_slice %arg4[%add3A_143, %dma_start3A_149] : memref<819200x128xf32, #tpu.memory_space<hbm>> -> memref<128x64xf32, #tpu.memory_space<hbm>>
    %dma_start3A_151 = arith.constant 0 : i32
    %dma_start3A_152 = tpu.memref_slice %arg4[%add3A_143, %dma_start3A_151] : memref<819200x128xf32, #tpu.memory_space<hbm>> -> memref<128x64xf32, #tpu.memory_space<hbm>>
    %dma_start3A_153 = arith.constant 0 : i32
    %dma_start3A_154 = arith.constant 0 : i32
    %dma_start3A_155 = tpu.memref_slice %arg7[%dma_start3A_144, %dma_start3A_153, %dma_start3A_154] : memref<4x128x64xf32, #tpu.memory_space<vmem>> -> memref<1x128x64xf32, #tpu.memory_space<vmem>>
    %dma_start3A_156 = tpu.memref_squeeze %dma_start3A_155 : memref<1x128x64xf32, #tpu.memory_space<vmem>> -> memref<128x64xf32, #tpu.memory_space<vmem>>
    tpu.enqueue_dma source(%dma_start3A_156 : memref<128x64xf32, #tpu.memory_space<vmem>>) target(%dma_start3A_152 : memref<128x64xf32, #tpu.memory_space<hbm>>) target_semaphore(%arg15 : memref<!tpu.dma_semaphore, #tpu.memory_space<semaphore_mem>>)
    %dma_start3A_157 = arith.constant 2 : i32
    %dma_start3A_158 = arith.constant 0 : i32
    %dma_start3A_159 = arith.constant 0 : i32
    %dma_start3A_160 = tpu.memref_slice %arg6[%dma_start3A_157, %dma_start3A_158, %dma_start3A_159] : memref<4x128x64xf32, #tpu.memory_space<vmem>> -> memref<1x128x64xf32, #tpu.memory_space<vmem>>
    %dma_start3A_161 = tpu.memref_squeeze %dma_start3A_160 : memref<1x128x64xf32, #tpu.memory_space<vmem>> -> memref<128x64xf32, #tpu.memory_space<vmem>>
    %dma_start3A_162 = arith.constant 768 : i32
    %dma_start3A_163 = tpu.memref_slice %arg5[%dma_start3A_162] : memref<25600xi32, #tpu.memory_space<vmem>> -> memref<128xi32, #tpu.memory_space<vmem>>
    %dma_start3A_164 = arith.constant 0 : i32
    %dma_start3A_165 = arith.constant 0 : i32
    %dma_start3A_166 = tpu.memref_slice %arg3[%dma_start3A_164, %dma_start3A_165] : memref<1000000x64xf32, #tpu.memory_space<hbm>> -> memref<1000000x64xf32, #tpu.memory_space<hbm>>
    tpu.enqueue_indirect_dma source(%dma_start3A_166 : memref<1000000x64xf32, #tpu.memory_space<hbm>>) target(%dma_start3A_161 : memref<128x64xf32, #tpu.memory_space<vmem>>) offsets(%dma_start3A_163 : memref<128xi32, #tpu.memory_space<vmem>>) semaphore(%arg11 : memref<!tpu.dma_semaphore, #tpu.memory_space<semaphore_mem>>)
    %dma_wait3A_167 = arith.constant 3 : i32
    %dma_wait3A_168 = arith.constant 0 : i32
    %dma_wait3A_169 = arith.constant 0 : i32
    %dma_wait3A_170 = tpu.memref_slice %arg6[%dma_wait3A_167, %dma_wait3A_168, %dma_wait3A_169] : memref<4x128x64xf32, #tpu.memory_space<vmem>> -> memref<1x128x64xf32, #tpu.memory_space<vmem>>
    %dma_wait3A_171 = tpu.memref_squeeze %dma_wait3A_170 : memref<1x128x64xf32, #tpu.memory_space<vmem>> -> memref<128x64xf32, #tpu.memory_space<vmem>>
    %dma_wait3A_172 = arith.constant 0 : i32
    %dma_wait3A_173 = tpu.memref_slice %arg5[%dma_wait3A_172] : memref<25600xi32, #tpu.memory_space<vmem>> -> memref<128xi32, #tpu.memory_space<vmem>>
    %dma_wait3A_174 = arith.constant 0 : i32
    %dma_wait3A_175 = arith.constant 0 : i32
    %dma_wait3A_176 = tpu.memref_slice %arg3[%dma_wait3A_174, %dma_wait3A_175] : memref<1000000x64xf32, #tpu.memory_space<hbm>> -> memref<1000000x64xf32, #tpu.memory_space<hbm>>
    tpu.wait_indirect_dma semaphore(%arg12 : memref<!tpu.dma_semaphore, #tpu.memory_space<semaphore_mem>>) src(%dma_wait3A_176 : memref<1000000x64xf32, #tpu.memory_space<hbm>>) dst(%dma_wait3A_171 : memref<128x64xf32, #tpu.memory_space<vmem>>)
    %scan3A_177 = arith.constant 0 : i32
    %scan3A_178 = arith.constant 0 : i32
    %scan3A_179 = arith.constant 128 : i32
    %scan3A_180 = arith.addi %scan3A_178, %scan3A_179 : i32
    %scan3A_181 = arith.constant 1 : i32
    scf.for %scan3A_458 = %scan3A_178 to %scan3A_180 step %scan3A_181  : i32 {
      %get3A = arith.constant 3 : i32
      %get3A_459 = arith.index_cast %get3A : i32 to index
      %get3A_460 = arith.index_cast %scan3A_458 : i32 to index
      %get3A_461 = arith.constant 0 : index
      %get3A_462 = tpu.vector_load %arg6[%get3A_459, %get3A_460, %get3A_461] {strides = array<i32>} : memref<4x128x64xf32, #tpu.memory_space<vmem>>, vector<1x1x16xf32>,
      %get3A_463 = vector.shape_cast %get3A_462 : vector<1x1x16xf32> to vector<16xf32>
      %mul3A_464 = arith.constant 8.000000e+00 : f32
      %mul3A_465 = vector.broadcast %mul3A_464 : f32 to vector<16xf32>
      %mul3A_466 = arith.mulf %get3A_463, %mul3A_465 : vector<16xf32>
      %swap3A = arith.constant 3 : i32
      %swap3A_467 = arith.index_cast %swap3A : i32 to index
      %swap3A_468 = arith.index_cast %scan3A_458 : i32 to index
      %swap3A_469 = arith.constant 0 : index
      %swap3A_470 = tpu.vector_load %arg7[%swap3A_467, %swap3A_468, %swap3A_469] {strides = array<i32>} : memref<4x128x64xf32, #tpu.memory_space<vmem>>, vector<1x1x16xf32>,
      %swap3A_471 = vector.shape_cast %swap3A_470 : vector<1x1x16xf32> to vector<16xf32>
      %swap3A_472 = vector.shape_cast %mul3A_466 : vector<16xf32> to vector<1x1x16xf32>
      tpu.vector_store %arg7[%swap3A_467, %swap3A_468, %swap3A_469], %swap3A_472 {strides = array<i32>} : memref<4x128x64xf32, #tpu.memory_space<vmem>>, vector<1x1x16xf32>,
      %get3A_473 = arith.constant 3 : i32
      %get3A_474 = arith.index_cast %get3A_473 : i32 to index
      %get3A_475 = arith.index_cast %scan3A_458 : i32 to index
      %get3A_476 = arith.constant 16 : index
      %get3A_477 = tpu.vector_load %arg6[%get3A_474, %get3A_475, %get3A_476] {strides = array<i32>} : memref<4x128x64xf32, #tpu.memory_space<vmem>>, vector<1x1x16xf32>,
      %get3A_478 = vector.shape_cast %get3A_477 : vector<1x1x16xf32> to vector<16xf32>
      %mul3A_479 = arith.constant 8.000000e+00 : f32
      %mul3A_480 = vector.broadcast %mul3A_479 : f32 to vector<16xf32>
      %mul3A_481 = arith.mulf %get3A_478, %mul3A_480 : vector<16xf32>
      %swap3A_482 = arith.constant 3 : i32
      %swap3A_483 = arith.index_cast %swap3A_482 : i32 to index
      %swap3A_484 = arith.index_cast %scan3A_458 : i32 to index
      %swap3A_485 = arith.constant 16 : index
      %swap3A_486 = tpu.vector_load %arg7[%swap3A_483, %swap3A_484, %swap3A_485] {strides = array<i32>} : memref<4x128x64xf32, #tpu.memory_space<vmem>>, vector<1x1x16xf32>,
      %swap3A_487 = vector.shape_cast %swap3A_486 : vector<1x1x16xf32> to vector<16xf32>
      %swap3A_488 = vector.shape_cast %mul3A_481 : vector<16xf32> to vector<1x1x16xf32>
      tpu.vector_store %arg7[%swap3A_483, %swap3A_484, %swap3A_485], %swap3A_488 {strides = array<i32>} : memref<4x128x64xf32, #tpu.memory_space<vmem>>, vector<1x1x16xf32>,
      %get3A_489 = arith.constant 3 : i32
      %get3A_490 = arith.index_cast %get3A_489 : i32 to index
      %get3A_491 = arith.index_cast %scan3A_458 : i32 to index
      %get3A_492 = arith.constant 32 : index
      %get3A_493 = tpu.vector_load %arg6[%get3A_490, %get3A_491, %get3A_492] {strides = array<i32>} : memref<4x128x64xf32, #tpu.memory_space<vmem>>, vector<1x1x16xf32>,
      %get3A_494 = vector.shape_cast %get3A_493 : vector<1x1x16xf32> to vector<16xf32>
      %mul3A_495 = arith.constant 8.000000e+00 : f32
      %mul3A_496 = vector.broadcast %mul3A_495 : f32 to vector<16xf32>
      %mul3A_497 = arith.mulf %get3A_494, %mul3A_496 : vector<16xf32>
      %swap3A_498 = arith.constant 3 : i32
      %swap3A_499 = arith.index_cast %swap3A_498 : i32 to index
      %swap3A_500 = arith.index_cast %scan3A_458 : i32 to index
      %swap3A_501 = arith.constant 32 : index
      %swap3A_502 = tpu.vector_load %arg7[%swap3A_499, %swap3A_500, %swap3A_501] {strides = array<i32>} : memref<4x128x64xf32, #tpu.memory_space<vmem>>, vector<1x1x16xf32>,
      %swap3A_503 = vector.shape_cast %swap3A_502 : vector<1x1x16xf32> to vector<16xf32>
      %swap3A_504 = vector.shape_cast %mul3A_497 : vector<16xf32> to vector<1x1x16xf32>
      tpu.vector_store %arg7[%swap3A_499, %swap3A_500, %swap3A_501], %swap3A_504 {strides = array<i32>} : memref<4x128x64xf32, #tpu.memory_space<vmem>>, vector<1x1x16xf32>,
      %get3A_505 = arith.constant 3 : i32
      %get3A_506 = arith.index_cast %get3A_505 : i32 to index
      %get3A_507 = arith.index_cast %scan3A_458 : i32 to index
      %get3A_508 = arith.constant 48 : index
      %get3A_509 = tpu.vector_load %arg6[%get3A_506, %get3A_507, %get3A_508] {strides = array<i32>} : memref<4x128x64xf32, #tpu.memory_space<vmem>>, vector<1x1x16xf32>,
      %get3A_510 = vector.shape_cast %get3A_509 : vector<1x1x16xf32> to vector<16xf32>
      %mul3A_511 = arith.constant 8.000000e+00 : f32
      %mul3A_512 = vector.broadcast %mul3A_511 : f32 to vector<16xf32>
      %mul3A_513 = arith.mulf %get3A_510, %mul3A_512 : vector<16xf32>
      %swap3A_514 = arith.constant 3 : i32
      %swap3A_515 = arith.index_cast %swap3A_514 : i32 to index
      %swap3A_516 = arith.index_cast %scan3A_458 : i32 to index
      %swap3A_517 = arith.constant 48 : index
      %swap3A_518 = tpu.vector_load %arg7[%swap3A_515, %swap3A_516, %swap3A_517] {strides = array<i32>} : memref<4x128x64xf32, #tpu.memory_space<vmem>>, vector<1x1x16xf32>,
      %swap3A_519 = vector.shape_cast %swap3A_518 : vector<1x1x16xf32> to vector<16xf32>
      %swap3A_520 = vector.shape_cast %mul3A_513 : vector<16xf32> to vector<1x1x16xf32>
      tpu.vector_store %arg7[%swap3A_515, %swap3A_516, %swap3A_517], %swap3A_520 {strides = array<i32>} : memref<4x128x64xf32, #tpu.memory_space<vmem>>, vector<1x1x16xf32>,
    }
    %scan3A_182 = arith.constant 128 : i32
    %add3A_183 = arith.constant 384 : i32
    %add3A_184 = arith.addi %mul3A_2, %add3A_183 : i32
    %dma_start3A_185 = arith.constant 3 : i32
    %dma_start3A_186 = arith.constant 0 : i32
    %dma_start3A_187 = arith.constant 0 : i32
    %dma_start3A_188 = tpu.memref_slice %arg7[%dma_start3A_185, %dma_start3A_186, %dma_start3A_187] : memref<4x128x64xf32, #tpu.memory_space<vmem>> -> memref<1x128x64xf32, #tpu.memory_space<vmem>>
    %dma_start3A_189 = tpu.memref_squeeze %dma_start3A_188 : memref<1x128x64xf32, #tpu.memory_space<vmem>> -> memref<128x64xf32, #tpu.memory_space<vmem>>
    %dma_start3A_190 = arith.constant 0 : i32
    %dma_start3A_191 = tpu.memref_slice %arg4[%add3A_184, %dma_start3A_190] : memref<819200x128xf32, #tpu.memory_space<hbm>> -> memref<128x64xf32, #tpu.memory_space<hbm>>
    %dma_start3A_192 = arith.constant 0 : i32
    %dma_start3A_193 = tpu.memref_slice %arg4[%add3A_184, %dma_start3A_192] : memref<819200x128xf32, #tpu.memory_space<hbm>> -> memref<128x64xf32, #tpu.memory_space<hbm>>
    %dma_start3A_194 = arith.constant 0 : i32
    %dma_start3A_195 = arith.constant 0 : i32
    %dma_start3A_196 = tpu.memref_slice %arg7[%dma_start3A_185, %dma_start3A_194, %dma_start3A_195] : memref<4x128x64xf32, #tpu.memory_space<vmem>> -> memref<1x128x64xf32, #tpu.memory_space<vmem>>
    %dma_start3A_197 = tpu.memref_squeeze %dma_start3A_196 : memref<1x128x64xf32, #tpu.memory_space<vmem>> -> memref<128x64xf32, #tpu.memory_space<vmem>>
    tpu.enqueue_dma source(%dma_start3A_197 : memref<128x64xf32, #tpu.memory_space<vmem>>) target(%dma_start3A_193 : memref<128x64xf32, #tpu.memory_space<hbm>>) target_semaphore(%arg16 : memref<!tpu.dma_semaphore, #tpu.memory_space<semaphore_mem>>)
    %dma_start3A_198 = arith.constant 3 : i32
    %dma_start3A_199 = arith.constant 0 : i32
    %dma_start3A_200 = arith.constant 0 : i32
    %dma_start3A_201 = tpu.memref_slice %arg6[%dma_start3A_198, %dma_start3A_199, %dma_start3A_200] : memref<4x128x64xf32, #tpu.memory_space<vmem>> -> memref<1x128x64xf32, #tpu.memory_space<vmem>>
    %dma_start3A_202 = tpu.memref_squeeze %dma_start3A_201 : memref<1x128x64xf32, #tpu.memory_space<vmem>> -> memref<128x64xf32, #tpu.memory_space<vmem>>
    %dma_start3A_203 = arith.constant 896 : i32
    %dma_start3A_204 = tpu.memref_slice %arg5[%dma_start3A_203] : memref<25600xi32, #tpu.memory_space<vmem>> -> memref<128xi32, #tpu.memory_space<vmem>>
    %dma_start3A_205 = arith.constant 0 : i32
    %dma_start3A_206 = arith.constant 0 : i32
    %dma_start3A_207 = tpu.memref_slice %arg3[%dma_start3A_205, %dma_start3A_206] : memref<1000000x64xf32, #tpu.memory_space<hbm>> -> memref<1000000x64xf32, #tpu.memory_space<hbm>>
    tpu.enqueue_indirect_dma source(%dma_start3A_207 : memref<1000000x64xf32, #tpu.memory_space<hbm>>) target(%dma_start3A_202 : memref<128x64xf32, #tpu.memory_space<vmem>>) offsets(%dma_start3A_204 : memref<128xi32, #tpu.memory_space<vmem>>) semaphore(%arg12 : memref<!tpu.dma_semaphore, #tpu.memory_space<semaphore_mem>>)
    %scan3A_208 = arith.constant 0 : i32
    %scan3A_209 = arith.constant 0 : i32
    %scan3A_210 = arith.constant 48 : i32
    %scan3A_211 = arith.addi %scan3A_209, %scan3A_210 : i32
    %scan3A_212 = arith.constant 1 : i32
    scf.for %scan3A_458 = %scan3A_209 to %scan3A_211 step %scan3A_212  : i32 {
      %mul3A_459 = arith.constant 4 : i32
      %mul3A_460 = arith.muli %scan3A_458, %mul3A_459 : i32
      %add3A_461 = arith.constant 4 : i32
      %add3A_462 = arith.addi %add3A_461, %mul3A_460 : i32
      %add3A_463 = arith.constant 0 : i32
      %add3A_464 = arith.addi %add3A_462, %add3A_463 : i32
      %dma_wait3A_465 = arith.constant 0 : i32
      %dma_wait3A_466 = arith.constant 0 : i32
      %dma_wait3A_467 = arith.constant 0 : i32
      %dma_wait3A_468 = tpu.memref_slice %arg6[%dma_wait3A_465, %dma_wait3A_466, %dma_wait3A_467] : memref<4x128x64xf32, #tpu.memory_space<vmem>> -> memref<1x128x64xf32, #tpu.memory_space<vmem>>
      %dma_wait3A_469 = tpu.memref_squeeze %dma_wait3A_468 : memref<1x128x64xf32, #tpu.memory_space<vmem>> -> memref<128x64xf32, #tpu.memory_space<vmem>>
      %dma_wait3A_470 = arith.constant 0 : i32
      %dma_wait3A_471 = tpu.memref_slice %arg5[%dma_wait3A_470] : memref<25600xi32, #tpu.memory_space<vmem>> -> memref<128xi32, #tpu.memory_space<vmem>>
      %dma_wait3A_472 = arith.constant 0 : i32
      %dma_wait3A_473 = arith.constant 0 : i32
      %dma_wait3A_474 = tpu.memref_slice %arg3[%dma_wait3A_472, %dma_wait3A_473] : memref<1000000x64xf32, #tpu.memory_space<hbm>> -> memref<1000000x64xf32, #tpu.memory_space<hbm>>
      tpu.wait_indirect_dma semaphore(%arg9 : memref<!tpu.dma_semaphore, #tpu.memory_space<semaphore_mem>>) src(%dma_wait3A_474 : memref<1000000x64xf32, #tpu.memory_space<hbm>>) dst(%dma_wait3A_469 : memref<128x64xf32, #tpu.memory_space<vmem>>)
      %mul3A_475 = arith.constant 128 : i32
      %mul3A_476 = arith.muli %add3A_464, %mul3A_475 : i32
      %add3A_477 = arith.addi %mul3A_2, %mul3A_476 : i32
      %dma_wait3A_478 = arith.constant 0 : i32
      %dma_wait3A_479 = arith.constant 0 : i32
      %dma_wait3A_480 = arith.constant 0 : i32
      %dma_wait3A_481 = tpu.memref_slice %arg7[%dma_wait3A_478, %dma_wait3A_479, %dma_wait3A_480] : memref<4x128x64xf32, #tpu.memory_space<vmem>> -> memref<1x128x64xf32, #tpu.memory_space<vmem>>
      %dma_wait3A_482 = tpu.memref_squeeze %dma_wait3A_481 : memref<1x128x64xf32, #tpu.memory_space<vmem>> -> memref<128x64xf32, #tpu.memory_space<vmem>>
      %dma_wait3A_483 = arith.constant 0 : i32
      %dma_wait3A_484 = tpu.memref_slice %arg4[%add3A_477, %dma_wait3A_483] : memref<819200x128xf32, #tpu.memory_space<hbm>> -> memref<128x64xf32, #tpu.memory_space<hbm>>
      %dma_wait3A_485 = arith.constant 0 : i32
      %dma_wait3A_486 = tpu.memref_slice %arg4[%add3A_477, %dma_wait3A_485] : memref<819200x128xf32, #tpu.memory_space<hbm>> -> memref<128x64xf32, #tpu.memory_space<hbm>>
      %dma_wait3A_487 = arith.constant 0 : i32
      %dma_wait3A_488 = arith.constant 0 : i32
      %dma_wait3A_489 = tpu.memref_slice %arg7[%dma_wait3A_478, %dma_wait3A_487, %dma_wait3A_488] : memref<4x128x64xf32, #tpu.memory_space<vmem>> -> memref<1x128x64xf32, #tpu.memory_space<vmem>>
      %dma_wait3A_490 = tpu.memref_squeeze %dma_wait3A_489 : memref<1x128x64xf32, #tpu.memory_space<vmem>> -> memref<128x64xf32, #tpu.memory_space<vmem>>
      tpu.wait_dma2 semaphore(%arg13 : memref<!tpu.dma_semaphore, #tpu.memory_space<semaphore_mem>>) src(%dma_wait3A_490 : memref<128x64xf32, #tpu.memory_space<vmem>>) dst(%dma_wait3A_486 : memref<128x64xf32, #tpu.memory_space<hbm>>)
      %scan3A_491 = arith.constant 0 : i32
      %scan3A_492 = arith.constant 0 : i32
      %scan3A_493 = arith.constant 128 : i32
      %scan3A_494 = arith.addi %scan3A_492, %scan3A_493 : i32
      %scan3A_495 = arith.constant 1 : i32
      scf.for %scan3A_715 = %scan3A_492 to %scan3A_494 step %scan3A_495  : i32 {
        %get3A = arith.constant 0 : i32
        %get3A_716 = arith.index_cast %get3A : i32 to index
        %get3A_717 = arith.index_cast %scan3A_715 : i32 to index
        %get3A_718 = arith.constant 0 : index
        %get3A_719 = tpu.vector_load %arg6[%get3A_716, %get3A_717, %get3A_718] {strides = array<i32>} : memref<4x128x64xf32, #tpu.memory_space<vmem>>, vector<1x1x16xf32>,
        %get3A_720 = vector.shape_cast %get3A_719 : vector<1x1x16xf32> to vector<16xf32>
        %mul3A_721 = arith.constant 8.000000e+00 : f32
        %mul3A_722 = vector.broadcast %mul3A_721 : f32 to vector<16xf32>
        %mul3A_723 = arith.mulf %get3A_720, %mul3A_722 : vector<16xf32>
        %swap3A = arith.constant 0 : i32
        %swap3A_724 = arith.index_cast %swap3A : i32 to index
        %swap3A_725 = arith.index_cast %scan3A_715 : i32 to index
        %swap3A_726 = arith.constant 0 : index
        %swap3A_727 = tpu.vector_load %arg7[%swap3A_724, %swap3A_725, %swap3A_726] {strides = array<i32>} : memref<4x128x64xf32, #tpu.memory_space<vmem>>, vector<1x1x16xf32>,
        %swap3A_728 = vector.shape_cast %swap3A_727 : vector<1x1x16xf32> to vector<16xf32>
        %swap3A_729 = vector.shape_cast %mul3A_723 : vector<16xf32> to vector<1x1x16xf32>
        tpu.vector_store %arg7[%swap3A_724, %swap3A_725, %swap3A_726], %swap3A_729 {strides = array<i32>} : memref<4x128x64xf32, #tpu.memory_space<vmem>>, vector<1x1x16xf32>,
        %get3A_730 = arith.constant 0 : i32
        %get3A_731 = arith.index_cast %get3A_730 : i32 to index
        %get3A_732 = arith.index_cast %scan3A_715 : i32 to index
        %get3A_733 = arith.constant 16 : index
        %get3A_734 = tpu.vector_load %arg6[%get3A_731, %get3A_732, %get3A_733] {strides = array<i32>} : memref<4x128x64xf32, #tpu.memory_space<vmem>>, vector<1x1x16xf32>,
        %get3A_735 = vector.shape_cast %get3A_734 : vector<1x1x16xf32> to vector<16xf32>
        %mul3A_736 = arith.constant 8.000000e+00 : f32
        %mul3A_737 = vector.broadcast %mul3A_736 : f32 to vector<16xf32>
        %mul3A_738 = arith.mulf %get3A_735, %mul3A_737 : vector<16xf32>
        %swap3A_739 = arith.constant 0 : i32
        %swap3A_740 = arith.index_cast %swap3A_739 : i32 to index
        %swap3A_741 = arith.index_cast %scan3A_715 : i32 to index
        %swap3A_742 = arith.constant 16 : index
        %swap3A_743 = tpu.vector_load %arg7[%swap3A_740, %swap3A_741, %swap3A_742] {strides = array<i32>} : memref<4x128x64xf32, #tpu.memory_space<vmem>>, vector<1x1x16xf32>,
        %swap3A_744 = vector.shape_cast %swap3A_743 : vector<1x1x16xf32> to vector<16xf32>
        %swap3A_745 = vector.shape_cast %mul3A_738 : vector<16xf32> to vector<1x1x16xf32>
        tpu.vector_store %arg7[%swap3A_740, %swap3A_741, %swap3A_742], %swap3A_745 {strides = array<i32>} : memref<4x128x64xf32, #tpu.memory_space<vmem>>, vector<1x1x16xf32>,
        %get3A_746 = arith.constant 0 : i32
        %get3A_747 = arith.index_cast %get3A_746 : i32 to index
        %get3A_748 = arith.index_cast %scan3A_715 : i32 to index
        %get3A_749 = arith.constant 32 : index
        %get3A_750 = tpu.vector_load %arg6[%get3A_747, %get3A_748, %get3A_749] {strides = array<i32>} : memref<4x128x64xf32, #tpu.memory_space<vmem>>, vector<1x1x16xf32>,
        %get3A_751 = vector.shape_cast %get3A_750 : vector<1x1x16xf32> to vector<16xf32>
        %mul3A_752 = arith.constant 8.000000e+00 : f32
        %mul3A_753 = vector.broadcast %mul3A_752 : f32 to vector<16xf32>
        %mul3A_754 = arith.mulf %get3A_751, %mul3A_753 : vector<16xf32>
        %swap3A_755 = arith.constant 0 : i32
        %swap3A_756 = arith.index_cast %swap3A_755 : i32 to index
        %swap3A_757 = arith.index_cast %scan3A_715 : i32 to index
        %swap3A_758 = arith.constant 32 : index
        %swap3A_759 = tpu.vector_load %arg7[%swap3A_756, %swap3A_757, %swap3A_758] {strides = array<i32>} : memref<4x128x64xf32, #tpu.memory_space<vmem>>, vector<1x1x16xf32>,
        %swap3A_760 = vector.shape_cast %swap3A_759 : vector<1x1x16xf32> to vector<16xf32>
        %swap3A_761 = vector.shape_cast %mul3A_754 : vector<16xf32> to vector<1x1x16xf32>
        tpu.vector_store %arg7[%swap3A_756, %swap3A_757, %swap3A_758], %swap3A_761 {strides = array<i32>} : memref<4x128x64xf32, #tpu.memory_space<vmem>>, vector<1x1x16xf32>,
        %get3A_762 = arith.constant 0 : i32
        %get3A_763 = arith.index_cast %get3A_762 : i32 to index
        %get3A_764 = arith.index_cast %scan3A_715 : i32 to index
        %get3A_765 = arith.constant 48 : index
        %get3A_766 = tpu.vector_load %arg6[%get3A_763, %get3A_764, %get3A_765] {strides = array<i32>} : memref<4x128x64xf32, #tpu.memory_space<vmem>>, vector<1x1x16xf32>,
        %get3A_767 = vector.shape_cast %get3A_766 : vector<1x1x16xf32> to vector<16xf32>
        %mul3A_768 = arith.constant 8.000000e+00 : f32
        %mul3A_769 = vector.broadcast %mul3A_768 : f32 to vector<16xf32>
        %mul3A_770 = arith.mulf %get3A_767, %mul3A_769 : vector<16xf32>
        %swap3A_771 = arith.constant 0 : i32
        %swap3A_772 = arith.index_cast %swap3A_771 : i32 to index
        %swap3A_773 = arith.index_cast %scan3A_715 : i32 to index
        %swap3A_774 = arith.constant 48 : index
        %swap3A_775 = tpu.vector_load %arg7[%swap3A_772, %swap3A_773, %swap3A_774] {strides = array<i32>} : memref<4x128x64xf32, #tpu.memory_space<vmem>>, vector<1x1x16xf32>,
        %swap3A_776 = vector.shape_cast %swap3A_775 : vector<1x1x16xf32> to vector<16xf32>
        %swap3A_777 = vector.shape_cast %mul3A_770 : vector<16xf32> to vector<1x1x16xf32>
        tpu.vector_store %arg7[%swap3A_772, %swap3A_773, %swap3A_774], %swap3A_777 {strides = array<i32>} : memref<4x128x64xf32, #tpu.memory_space<vmem>>, vector<1x1x16xf32>,
      }
      %scan3A_496 = arith.constant 128 : i32
      %mul3A_497 = arith.constant 128 : i32
      %mul3A_498 = arith.muli %add3A_464, %mul3A_497 : i32
      %add3A_499 = arith.addi %mul3A_2, %mul3A_498 : i32
      %dma_start3A_500 = arith.constant 0 : i32
      %dma_start3A_501 = arith.constant 0 : i32
      %dma_start3A_502 = arith.constant 0 : i32
      %dma_start3A_503 = tpu.memref_slice %arg7[%dma_start3A_500, %dma_start3A_501, %dma_start3A_502] : memref<4x128x64xf32, #tpu.memory_space<vmem>> -> memref<1x128x64xf32, #tpu.memory_space<vmem>>
      %dma_start3A_504 = tpu.memref_squeeze %dma_start3A_503 : memref<1x128x64xf32, #tpu.memory_space<vmem>> -> memref<128x64xf32, #tpu.memory_space<vmem>>
      %dma_start3A_505 = arith.constant 0 : i32
      %dma_start3A_506 = tpu.memref_slice %arg4[%add3A_499, %dma_start3A_505] : memref<819200x128xf32, #tpu.memory_space<hbm>> -> memref<128x64xf32, #tpu.memory_space<hbm>>
      %dma_start3A_507 = arith.constant 0 : i32
      %dma_start3A_508 = tpu.memref_slice %arg4[%add3A_499, %dma_start3A_507] : memref<819200x128xf32, #tpu.memory_space<hbm>> -> memref<128x64xf32, #tpu.memory_space<hbm>>
      %dma_start3A_509 = arith.constant 0 : i32
      %dma_start3A_510 = arith.constant 0 : i32
      %dma_start3A_511 = tpu.memref_slice %arg7[%dma_start3A_500, %dma_start3A_509, %dma_start3A_510] : memref<4x128x64xf32, #tpu.memory_space<vmem>> -> memref<1x128x64xf32, #tpu.memory_space<vmem>>
      %dma_start3A_512 = tpu.memref_squeeze %dma_start3A_511 : memref<1x128x64xf32, #tpu.memory_space<vmem>> -> memref<128x64xf32, #tpu.memory_space<vmem>>
      tpu.enqueue_dma source(%dma_start3A_512 : memref<128x64xf32, #tpu.memory_space<vmem>>) target(%dma_start3A_508 : memref<128x64xf32, #tpu.memory_space<hbm>>) target_semaphore(%arg13 : memref<!tpu.dma_semaphore, #tpu.memory_space<semaphore_mem>>)
      %add3A_513 = arith.constant 4 : i32
      %add3A_514 = arith.addi %add3A_464, %add3A_513 : i32
      %mul3A_515 = arith.constant 128 : i32
      %mul3A_516 = arith.muli %add3A_514, %mul3A_515 : i32
      %dma_start3A_517 = arith.constant 0 : i32
      %dma_start3A_518 = arith.constant 0 : i32
      %dma_start3A_519 = arith.constant 0 : i32
      %dma_start3A_520 = tpu.memref_slice %arg6[%dma_start3A_517, %dma_start3A_518, %dma_start3A_519] : memref<4x128x64xf32, #tpu.memory_space<vmem>> -> memref<1x128x64xf32, #tpu.memory_space<vmem>>
      %dma_start3A_521 = tpu.memref_squeeze %dma_start3A_520 : memref<1x128x64xf32, #tpu.memory_space<vmem>> -> memref<128x64xf32, #tpu.memory_space<vmem>>
      %dma_start3A_522 = tpu.memref_slice %arg5[%mul3A_516] : memref<25600xi32, #tpu.memory_space<vmem>> -> memref<128xi32, #tpu.memory_space<vmem>>
      %dma_start3A_523 = arith.constant 0 : i32
      %dma_start3A_524 = arith.constant 0 : i32
      %dma_start3A_525 = tpu.memref_slice %arg3[%dma_start3A_523, %dma_start3A_524] : memref<1000000x64xf32, #tpu.memory_space<hbm>> -> memref<1000000x64xf32, #tpu.memory_space<hbm>>
      tpu.enqueue_indirect_dma source(%dma_start3A_525 : memref<1000000x64xf32, #tpu.memory_space<hbm>>) target(%dma_start3A_521 : memref<128x64xf32, #tpu.memory_space<vmem>>) offsets(%dma_start3A_522 : memref<128xi32, #tpu.memory_space<vmem>>) semaphore(%arg9 : memref<!tpu.dma_semaphore, #tpu.memory_space<semaphore_mem>>)
      %add3A_526 = arith.constant 1 : i32
      %add3A_527 = arith.addi %add3A_462, %add3A_526 : i32
      %dma_wait3A_528 = arith.constant 1 : i32
      %dma_wait3A_529 = arith.constant 0 : i32
      %dma_wait3A_530 = arith.constant 0 : i32
      %dma_wait3A_531 = tpu.memref_slice %arg6[%dma_wait3A_528, %dma_wait3A_529, %dma_wait3A_530] : memref<4x128x64xf32, #tpu.memory_space<vmem>> -> memref<1x128x64xf32, #tpu.memory_space<vmem>>
      %dma_wait3A_532 = tpu.memref_squeeze %dma_wait3A_531 : memref<1x128x64xf32, #tpu.memory_space<vmem>> -> memref<128x64xf32, #tpu.memory_space<vmem>>
      %dma_wait3A_533 = arith.constant 0 : i32
      %dma_wait3A_534 = tpu.memref_slice %arg5[%dma_wait3A_533] : memref<25600xi32, #tpu.memory_space<vmem>> -> memref<128xi32, #tpu.memory_space<vmem>>
      %dma_wait3A_535 = arith.constant 0 : i32
      %dma_wait3A_536 = arith.constant 0 : i32
      %dma_wait3A_537 = tpu.memref_slice %arg3[%dma_wait3A_535, %dma_wait3A_536] : memref<1000000x64xf32, #tpu.memory_space<hbm>> -> memref<1000000x64xf32, #tpu.memory_space<hbm>>
      tpu.wait_indirect_dma semaphore(%arg10 : memref<!tpu.dma_semaphore, #tpu.memory_space<semaphore_mem>>) src(%dma_wait3A_537 : memref<1000000x64xf32, #tpu.memory_space<hbm>>) dst(%dma_wait3A_532 : memref<128x64xf32, #tpu.memory_space<vmem>>)
      %mul3A_538 = arith.constant 128 : i32
      %mul3A_539 = arith.muli %add3A_527, %mul3A_538 : i32
      %add3A_540 = arith.addi %mul3A_2, %mul3A_539 : i32
      %dma_wait3A_541 = arith.constant 1 : i32
      %dma_wait3A_542 = arith.constant 0 : i32
      %dma_wait3A_543 = arith.constant 0 : i32
      %dma_wait3A_544 = tpu.memref_slice %arg7[%dma_wait3A_541, %dma_wait3A_542, %dma_wait3A_543] : memref<4x128x64xf32, #tpu.memory_space<vmem>> -> memref<1x128x64xf32, #tpu.memory_space<vmem>>
      %dma_wait3A_545 = tpu.memref_squeeze %dma_wait3A_544 : memref<1x128x64xf32, #tpu.memory_space<vmem>> -> memref<128x64xf32, #tpu.memory_space<vmem>>
      %dma_wait3A_546 = arith.constant 0 : i32
      %dma_wait3A_547 = tpu.memref_slice %arg4[%add3A_540, %dma_wait3A_546] : memref<819200x128xf32, #tpu.memory_space<hbm>> -> memref<128x64xf32, #tpu.memory_space<hbm>>
      %dma_wait3A_548 = arith.constant 0 : i32
      %dma_wait3A_549 = tpu.memref_slice %arg4[%add3A_540, %dma_wait3A_548] : memref<819200x128xf32, #tpu.memory_space<hbm>> -> memref<128x64xf32, #tpu.memory_space<hbm>>
      %dma_wait3A_550 = arith.constant 0 : i32
      %dma_wait3A_551 = arith.constant 0 : i32
      %dma_wait3A_552 = tpu.memref_slice %arg7[%dma_wait3A_541, %dma_wait3A_550, %dma_wait3A_551] : memref<4x128x64xf32, #tpu.memory_space<vmem>> -> memref<1x128x64xf32, #tpu.memory_space<vmem>>
      %dma_wait3A_553 = tpu.memref_squeeze %dma_wait3A_552 : memref<1x128x64xf32, #tpu.memory_space<vmem>> -> memref<128x64xf32, #tpu.memory_space<vmem>>
      tpu.wait_dma2 semaphore(%arg14 : memref<!tpu.dma_semaphore, #tpu.memory_space<semaphore_mem>>) src(%dma_wait3A_553 : memref<128x64xf32, #tpu.memory_space<vmem>>) dst(%dma_wait3A_549 : memref<128x64xf32, #tpu.memory_space<hbm>>)
      %scan3A_554 = arith.constant 0 : i32
      %scan3A_555 = arith.constant 0 : i32
      %scan3A_556 = arith.constant 128 : i32
      %scan3A_557 = arith.addi %scan3A_555, %scan3A_556 : i32
      %scan3A_558 = arith.constant 1 : i32
      scf.for %scan3A_715 = %scan3A_555 to %scan3A_557 step %scan3A_558  : i32 {
        %get3A = arith.constant 1 : i32
        %get3A_716 = arith.index_cast %get3A : i32 to index
        %get3A_717 = arith.index_cast %scan3A_715 : i32 to index
        %get3A_718 = arith.constant 0 : index
        %get3A_719 = tpu.vector_load %arg6[%get3A_716, %get3A_717, %get3A_718] {strides = array<i32>} : memref<4x128x64xf32, #tpu.memory_space<vmem>>, vector<1x1x16xf32>,
        %get3A_720 = vector.shape_cast %get3A_719 : vector<1x1x16xf32> to vector<16xf32>
        %mul3A_721 = arith.constant 8.000000e+00 : f32
        %mul3A_722 = vector.broadcast %mul3A_721 : f32 to vector<16xf32>
        %mul3A_723 = arith.mulf %get3A_720, %mul3A_722 : vector<16xf32>
        %swap3A = arith.constant 1 : i32
        %swap3A_724 = arith.index_cast %swap3A : i32 to index
        %swap3A_725 = arith.index_cast %scan3A_715 : i32 to index
        %swap3A_726 = arith.constant 0 : index
        %swap3A_727 = tpu.vector_load %arg7[%swap3A_724, %swap3A_725, %swap3A_726] {strides = array<i32>} : memref<4x128x64xf32, #tpu.memory_space<vmem>>, vector<1x1x16xf32>,
        %swap3A_728 = vector.shape_cast %swap3A_727 : vector<1x1x16xf32> to vector<16xf32>
        %swap3A_729 = vector.shape_cast %mul3A_723 : vector<16xf32> to vector<1x1x16xf32>
        tpu.vector_store %arg7[%swap3A_724, %swap3A_725, %swap3A_726], %swap3A_729 {strides = array<i32>} : memref<4x128x64xf32, #tpu.memory_space<vmem>>, vector<1x1x16xf32>,
        %get3A_730 = arith.constant 1 : i32
        %get3A_731 = arith.index_cast %get3A_730 : i32 to index
        %get3A_732 = arith.index_cast %scan3A_715 : i32 to index
        %get3A_733 = arith.constant 16 : index
        %get3A_734 = tpu.vector_load %arg6[%get3A_731, %get3A_732, %get3A_733] {strides = array<i32>} : memref<4x128x64xf32, #tpu.memory_space<vmem>>, vector<1x1x16xf32>,
        %get3A_735 = vector.shape_cast %get3A_734 : vector<1x1x16xf32> to vector<16xf32>
        %mul3A_736 = arith.constant 8.000000e+00 : f32
        %mul3A_737 = vector.broadcast %mul3A_736 : f32 to vector<16xf32>
        %mul3A_738 = arith.mulf %get3A_735, %mul3A_737 : vector<16xf32>
        %swap3A_739 = arith.constant 1 : i32
        %swap3A_740 = arith.index_cast %swap3A_739 : i32 to index
        %swap3A_741 = arith.index_cast %scan3A_715 : i32 to index
        %swap3A_742 = arith.constant 16 : index
        %swap3A_743 = tpu.vector_load %arg7[%swap3A_740, %swap3A_741, %swap3A_742] {strides = array<i32>} : memref<4x128x64xf32, #tpu.memory_space<vmem>>, vector<1x1x16xf32>,
        %swap3A_744 = vector.shape_cast %swap3A_743 : vector<1x1x16xf32> to vector<16xf32>
        %swap3A_745 = vector.shape_cast %mul3A_738 : vector<16xf32> to vector<1x1x16xf32>
        tpu.vector_store %arg7[%swap3A_740, %swap3A_741, %swap3A_742], %swap3A_745 {strides = array<i32>} : memref<4x128x64xf32, #tpu.memory_space<vmem>>, vector<1x1x16xf32>,
        %get3A_746 = arith.constant 1 : i32
        %get3A_747 = arith.index_cast %get3A_746 : i32 to index
        %get3A_748 = arith.index_cast %scan3A_715 : i32 to index
        %get3A_749 = arith.constant 32 : index
        %get3A_750 = tpu.vector_load %arg6[%get3A_747, %get3A_748, %get3A_749] {strides = array<i32>} : memref<4x128x64xf32, #tpu.memory_space<vmem>>, vector<1x1x16xf32>,
        %get3A_751 = vector.shape_cast %get3A_750 : vector<1x1x16xf32> to vector<16xf32>
        %mul3A_752 = arith.constant 8.000000e+00 : f32
        %mul3A_753 = vector.broadcast %mul3A_752 : f32 to vector<16xf32>
        %mul3A_754 = arith.mulf %get3A_751, %mul3A_753 : vector<16xf32>
        %swap3A_755 = arith.constant 1 : i32
        %swap3A_756 = arith.index_cast %swap3A_755 : i32 to index
        %swap3A_757 = arith.index_cast %scan3A_715 : i32 to index
        %swap3A_758 = arith.constant 32 : index
        %swap3A_759 = tpu.vector_load %arg7[%swap3A_756, %swap3A_757, %swap3A_758] {strides = array<i32>} : memref<4x128x64xf32, #tpu.memory_space<vmem>>, vector<1x1x16xf32>,
        %swap3A_760 = vector.shape_cast %swap3A_759 : vector<1x1x16xf32> to vector<16xf32>
        %swap3A_761 = vector.shape_cast %mul3A_754 : vector<16xf32> to vector<1x1x16xf32>
        tpu.vector_store %arg7[%swap3A_756, %swap3A_757, %swap3A_758], %swap3A_761 {strides = array<i32>} : memref<4x128x64xf32, #tpu.memory_space<vmem>>, vector<1x1x16xf32>,
        %get3A_762 = arith.constant 1 : i32
        %get3A_763 = arith.index_cast %get3A_762 : i32 to index
        %get3A_764 = arith.index_cast %scan3A_715 : i32 to index
        %get3A_765 = arith.constant 48 : index
        %get3A_766 = tpu.vector_load %arg6[%get3A_763, %get3A_764, %get3A_765] {strides = array<i32>} : memref<4x128x64xf32, #tpu.memory_space<vmem>>, vector<1x1x16xf32>,
        %get3A_767 = vector.shape_cast %get3A_766 : vector<1x1x16xf32> to vector<16xf32>
        %mul3A_768 = arith.constant 8.000000e+00 : f32
        %mul3A_769 = vector.broadcast %mul3A_768 : f32 to vector<16xf32>
        %mul3A_770 = arith.mulf %get3A_767, %mul3A_769 : vector<16xf32>
        %swap3A_771 = arith.constant 1 : i32
        %swap3A_772 = arith.index_cast %swap3A_771 : i32 to index
        %swap3A_773 = arith.index_cast %scan3A_715 : i32 to index
        %swap3A_774 = arith.constant 48 : index
        %swap3A_775 = tpu.vector_load %arg7[%swap3A_772, %swap3A_773, %swap3A_774] {strides = array<i32>} : memref<4x128x64xf32, #tpu.memory_space<vmem>>, vector<1x1x16xf32>,
        %swap3A_776 = vector.shape_cast %swap3A_775 : vector<1x1x16xf32> to vector<16xf32>
        %swap3A_777 = vector.shape_cast %mul3A_770 : vector<16xf32> to vector<1x1x16xf32>
        tpu.vector_store %arg7[%swap3A_772, %swap3A_773, %swap3A_774], %swap3A_777 {strides = array<i32>} : memref<4x128x64xf32, #tpu.memory_space<vmem>>, vector<1x1x16xf32>,
      }
      %scan3A_559 = arith.constant 128 : i32
      %mul3A_560 = arith.constant 128 : i32
      %mul3A_561 = arith.muli %add3A_527, %mul3A_560 : i32
      %add3A_562 = arith.addi %mul3A_2, %mul3A_561 : i32
      %dma_start3A_563 = arith.constant 1 : i32
      %dma_start3A_564 = arith.constant 0 : i32
      %dma_start3A_565 = arith.constant 0 : i32
      %dma_start3A_566 = tpu.memref_slice %arg7[%dma_start3A_563, %dma_start3A_564, %dma_start3A_565] : memref<4x128x64xf32, #tpu.memory_space<vmem>> -> memref<1x128x64xf32, #tpu.memory_space<vmem>>
      %dma_start3A_567 = tpu.memref_squeeze %dma_start3A_566 : memref<1x128x64xf32, #tpu.memory_space<vmem>> -> memref<128x64xf32, #tpu.memory_space<vmem>>
      %dma_start3A_568 = arith.constant 0 : i32
      %dma_start3A_569 = tpu.memref_slice %arg4[%add3A_562, %dma_start3A_568] : memref<819200x128xf32, #tpu.memory_space<hbm>> -> memref<128x64xf32, #tpu.memory_space<hbm>>
      %dma_start3A_570 = arith.constant 0 : i32
      %dma_start3A_571 = tpu.memref_slice %arg4[%add3A_562, %dma_start3A_570] : memref<819200x128xf32, #tpu.memory_space<hbm>> -> memref<128x64xf32, #tpu.memory_space<hbm>>
      %dma_start3A_572 = arith.constant 0 : i32
      %dma_start3A_573 = arith.constant 0 : i32
      %dma_start3A_574 = tpu.memref_slice %arg7[%dma_start3A_563, %dma_start3A_572, %dma_start3A_573] : memref<4x128x64xf32, #tpu.memory_space<vmem>> -> memref<1x128x64xf32, #tpu.memory_space<vmem>>
      %dma_start3A_575 = tpu.memref_squeeze %dma_start3A_574 : memref<1x128x64xf32, #tpu.memory_space<vmem>> -> memref<128x64xf32, #tpu.memory_space<vmem>>
      tpu.enqueue_dma source(%dma_start3A_575 : memref<128x64xf32, #tpu.memory_space<vmem>>) target(%dma_start3A_571 : memref<128x64xf32, #tpu.memory_space<hbm>>) target_semaphore(%arg14 : memref<!tpu.dma_semaphore, #tpu.memory_space<semaphore_mem>>)
      %add3A_576 = arith.constant 4 : i32
      %add3A_577 = arith.addi %add3A_527, %add3A_576 : i32
      %mul3A_578 = arith.constant 128 : i32
      %mul3A_579 = arith.muli %add3A_577, %mul3A_578 : i32
      %dma_start3A_580 = arith.constant 1 : i32
      %dma_start3A_581 = arith.constant 0 : i32
      %dma_start3A_582 = arith.constant 0 : i32
      %dma_start3A_583 = tpu.memref_slice %arg6[%dma_start3A_580, %dma_start3A_581, %dma_start3A_582] : memref<4x128x64xf32, #tpu.memory_space<vmem>> -> memref<1x128x64xf32, #tpu.memory_space<vmem>>
      %dma_start3A_584 = tpu.memref_squeeze %dma_start3A_583 : memref<1x128x64xf32, #tpu.memory_space<vmem>> -> memref<128x64xf32, #tpu.memory_space<vmem>>
      %dma_start3A_585 = tpu.memref_slice %arg5[%mul3A_579] : memref<25600xi32, #tpu.memory_space<vmem>> -> memref<128xi32, #tpu.memory_space<vmem>>
      %dma_start3A_586 = arith.constant 0 : i32
      %dma_start3A_587 = arith.constant 0 : i32
      %dma_start3A_588 = tpu.memref_slice %arg3[%dma_start3A_586, %dma_start3A_587] : memref<1000000x64xf32, #tpu.memory_space<hbm>> -> memref<1000000x64xf32, #tpu.memory_space<hbm>>
      tpu.enqueue_indirect_dma source(%dma_start3A_588 : memref<1000000x64xf32, #tpu.memory_space<hbm>>) target(%dma_start3A_584 : memref<128x64xf32, #tpu.memory_space<vmem>>) offsets(%dma_start3A_585 : memref<128xi32, #tpu.memory_space<vmem>>) semaphore(%arg10 : memref<!tpu.dma_semaphore, #tpu.memory_space<semaphore_mem>>)
      %add3A_589 = arith.constant 2 : i32
      %add3A_590 = arith.addi %add3A_462, %add3A_589 : i32
      %dma_wait3A_591 = arith.constant 2 : i32
      %dma_wait3A_592 = arith.constant 0 : i32
      %dma_wait3A_593 = arith.constant 0 : i32
      %dma_wait3A_594 = tpu.memref_slice %arg6[%dma_wait3A_591, %dma_wait3A_592, %dma_wait3A_593] : memref<4x128x64xf32, #tpu.memory_space<vmem>> -> memref<1x128x64xf32, #tpu.memory_space<vmem>>
      %dma_wait3A_595 = tpu.memref_squeeze %dma_wait3A_594 : memref<1x128x64xf32, #tpu.memory_space<vmem>> -> memref<128x64xf32, #tpu.memory_space<vmem>>
      %dma_wait3A_596 = arith.constant 0 : i32
      %dma_wait3A_597 = tpu.memref_slice %arg5[%dma_wait3A_596] : memref<25600xi32, #tpu.memory_space<vmem>> -> memref<128xi32, #tpu.memory_space<vmem>>
      %dma_wait3A_598 = arith.constant 0 : i32
      %dma_wait3A_599 = arith.constant 0 : i32
      %dma_wait3A_600 = tpu.memref_slice %arg3[%dma_wait3A_598, %dma_wait3A_599] : memref<1000000x64xf32, #tpu.memory_space<hbm>> -> memref<1000000x64xf32, #tpu.memory_space<hbm>>
      tpu.wait_indirect_dma semaphore(%arg11 : memref<!tpu.dma_semaphore, #tpu.memory_space<semaphore_mem>>) src(%dma_wait3A_600 : memref<1000000x64xf32, #tpu.memory_space<hbm>>) dst(%dma_wait3A_595 : memref<128x64xf32, #tpu.memory_space<vmem>>)
      %mul3A_601 = arith.constant 128 : i32
      %mul3A_602 = arith.muli %add3A_590, %mul3A_601 : i32
      %add3A_603 = arith.addi %mul3A_2, %mul3A_602 : i32
      %dma_wait3A_604 = arith.constant 2 : i32
      %dma_wait3A_605 = arith.constant 0 : i32
      %dma_wait3A_606 = arith.constant 0 : i32
      %dma_wait3A_607 = tpu.memref_slice %arg7[%dma_wait3A_604, %dma_wait3A_605, %dma_wait3A_606] : memref<4x128x64xf32, #tpu.memory_space<vmem>> -> memref<1x128x64xf32, #tpu.memory_space<vmem>>
      %dma_wait3A_608 = tpu.memref_squeeze %dma_wait3A_607 : memref<1x128x64xf32, #tpu.memory_space<vmem>> -> memref<128x64xf32, #tpu.memory_space<vmem>>
      %dma_wait3A_609 = arith.constant 0 : i32
      %dma_wait3A_610 = tpu.memref_slice %arg4[%add3A_603, %dma_wait3A_609] : memref<819200x128xf32, #tpu.memory_space<hbm>> -> memref<128x64xf32, #tpu.memory_space<hbm>>
      %dma_wait3A_611 = arith.constant 0 : i32
      %dma_wait3A_612 = tpu.memref_slice %arg4[%add3A_603, %dma_wait3A_611] : memref<819200x128xf32, #tpu.memory_space<hbm>> -> memref<128x64xf32, #tpu.memory_space<hbm>>
      %dma_wait3A_613 = arith.constant 0 : i32
      %dma_wait3A_614 = arith.constant 0 : i32
      %dma_wait3A_615 = tpu.memref_slice %arg7[%dma_wait3A_604, %dma_wait3A_613, %dma_wait3A_614] : memref<4x128x64xf32, #tpu.memory_space<vmem>> -> memref<1x128x64xf32, #tpu.memory_space<vmem>>
      %dma_wait3A_616 = tpu.memref_squeeze %dma_wait3A_615 : memref<1x128x64xf32, #tpu.memory_space<vmem>> -> memref<128x64xf32, #tpu.memory_space<vmem>>
      tpu.wait_dma2 semaphore(%arg15 : memref<!tpu.dma_semaphore, #tpu.memory_space<semaphore_mem>>) src(%dma_wait3A_616 : memref<128x64xf32, #tpu.memory_space<vmem>>) dst(%dma_wait3A_612 : memref<128x64xf32, #tpu.memory_space<hbm>>)
      %scan3A_617 = arith.constant 0 : i32
      %scan3A_618 = arith.constant 0 : i32
      %scan3A_619 = arith.constant 128 : i32
      %scan3A_620 = arith.addi %scan3A_618, %scan3A_619 : i32
      %scan3A_621 = arith.constant 1 : i32
      scf.for %scan3A_715 = %scan3A_618 to %scan3A_620 step %scan3A_621  : i32 {
        %get3A = arith.constant 2 : i32
        %get3A_716 = arith.index_cast %get3A : i32 to index
        %get3A_717 = arith.index_cast %scan3A_715 : i32 to index
        %get3A_718 = arith.constant 0 : index
        %get3A_719 = tpu.vector_load %arg6[%get3A_716, %get3A_717, %get3A_718] {strides = array<i32>} : memref<4x128x64xf32, #tpu.memory_space<vmem>>, vector<1x1x16xf32>,
        %get3A_720 = vector.shape_cast %get3A_719 : vector<1x1x16xf32> to vector<16xf32>
        %mul3A_721 = arith.constant 8.000000e+00 : f32
        %mul3A_722 = vector.broadcast %mul3A_721 : f32 to vector<16xf32>
        %mul3A_723 = arith.mulf %get3A_720, %mul3A_722 : vector<16xf32>
        %swap3A = arith.constant 2 : i32
        %swap3A_724 = arith.index_cast %swap3A : i32 to index
        %swap3A_725 = arith.index_cast %scan3A_715 : i32 to index
        %swap3A_726 = arith.constant 0 : index
        %swap3A_727 = tpu.vector_load %arg7[%swap3A_724, %swap3A_725, %swap3A_726] {strides = array<i32>} : memref<4x128x64xf32, #tpu.memory_space<vmem>>, vector<1x1x16xf32>,
        %swap3A_728 = vector.shape_cast %swap3A_727 : vector<1x1x16xf32> to vector<16xf32>
        %swap3A_729 = vector.shape_cast %mul3A_723 : vector<16xf32> to vector<1x1x16xf32>
        tpu.vector_store %arg7[%swap3A_724, %swap3A_725, %swap3A_726], %swap3A_729 {strides = array<i32>} : memref<4x128x64xf32, #tpu.memory_space<vmem>>, vector<1x1x16xf32>,
        %get3A_730 = arith.constant 2 : i32
        %get3A_731 = arith.index_cast %get3A_730 : i32 to index
        %get3A_732 = arith.index_cast %scan3A_715 : i32 to index
        %get3A_733 = arith.constant 16 : index
        %get3A_734 = tpu.vector_load %arg6[%get3A_731, %get3A_732, %get3A_733] {strides = array<i32>} : memref<4x128x64xf32, #tpu.memory_space<vmem>>, vector<1x1x16xf32>,
        %get3A_735 = vector.shape_cast %get3A_734 : vector<1x1x16xf32> to vector<16xf32>
        %mul3A_736 = arith.constant 8.000000e+00 : f32
        %mul3A_737 = vector.broadcast %mul3A_736 : f32 to vector<16xf32>
        %mul3A_738 = arith.mulf %get3A_735, %mul3A_737 : vector<16xf32>
        %swap3A_739 = arith.constant 2 : i32
        %swap3A_740 = arith.index_cast %swap3A_739 : i32 to index
        %swap3A_741 = arith.index_cast %scan3A_715 : i32 to index
        %swap3A_742 = arith.constant 16 : index
        %swap3A_743 = tpu.vector_load %arg7[%swap3A_740, %swap3A_741, %swap3A_742] {strides = array<i32>} : memref<4x128x64xf32, #tpu.memory_space<vmem>>, vector<1x1x16xf32>,
        %swap3A_744 = vector.shape_cast %swap3A_743 : vector<1x1x16xf32> to vector<16xf32>
        %swap3A_745 = vector.shape_cast %mul3A_738 : vector<16xf32> to vector<1x1x16xf32>
        tpu.vector_store %arg7[%swap3A_740, %swap3A_741, %swap3A_742], %swap3A_745 {strides = array<i32>} : memref<4x128x64xf32, #tpu.memory_space<vmem>>, vector<1x1x16xf32>,
        %get3A_746 = arith.constant 2 : i32
        %get3A_747 = arith.index_cast %get3A_746 : i32 to index
        %get3A_748 = arith.index_cast %scan3A_715 : i32 to index
        %get3A_749 = arith.constant 32 : index
        %get3A_750 = tpu.vector_load %arg6[%get3A_747, %get3A_748, %get3A_749] {strides = array<i32>} : memref<4x128x64xf32, #tpu.memory_space<vmem>>, vector<1x1x16xf32>,
        %get3A_751 = vector.shape_cast %get3A_750 : vector<1x1x16xf32> to vector<16xf32>
        %mul3A_752 = arith.constant 8.000000e+00 : f32
        %mul3A_753 = vector.broadcast %mul3A_752 : f32 to vector<16xf32>
        %mul3A_754 = arith.mulf %get3A_751, %mul3A_753 : vector<16xf32>
        %swap3A_755 = arith.constant 2 : i32
        %swap3A_756 = arith.index_cast %swap3A_755 : i32 to index
        %swap3A_757 = arith.index_cast %scan3A_715 : i32 to index
        %swap3A_758 = arith.constant 32 : index
        %swap3A_759 = tpu.vector_load %arg7[%swap3A_756, %swap3A_757, %swap3A_758] {strides = array<i32>} : memref<4x128x64xf32, #tpu.memory_space<vmem>>, vector<1x1x16xf32>,
        %swap3A_760 = vector.shape_cast %swap3A_759 : vector<1x1x16xf32> to vector<16xf32>
        %swap3A_761 = vector.shape_cast %mul3A_754 : vector<16xf32> to vector<1x1x16xf32>
        tpu.vector_store %arg7[%swap3A_756, %swap3A_757, %swap3A_758], %swap3A_761 {strides = array<i32>} : memref<4x128x64xf32, #tpu.memory_space<vmem>>, vector<1x1x16xf32>,
        %get3A_762 = arith.constant 2 : i32
        %get3A_763 = arith.index_cast %get3A_762 : i32 to index
        %get3A_764 = arith.index_cast %scan3A_715 : i32 to index
        %get3A_765 = arith.constant 48 : index
        %get3A_766 = tpu.vector_load %arg6[%get3A_763, %get3A_764, %get3A_765] {strides = array<i32>} : memref<4x128x64xf32, #tpu.memory_space<vmem>>, vector<1x1x16xf32>,
        %get3A_767 = vector.shape_cast %get3A_766 : vector<1x1x16xf32> to vector<16xf32>
        %mul3A_768 = arith.constant 8.000000e+00 : f32
        %mul3A_769 = vector.broadcast %mul3A_768 : f32 to vector<16xf32>
        %mul3A_770 = arith.mulf %get3A_767, %mul3A_769 : vector<16xf32>
        %swap3A_771 = arith.constant 2 : i32
        %swap3A_772 = arith.index_cast %swap3A_771 : i32 to index
        %swap3A_773 = arith.index_cast %scan3A_715 : i32 to index
        %swap3A_774 = arith.constant 48 : index
        %swap3A_775 = tpu.vector_load %arg7[%swap3A_772, %swap3A_773, %swap3A_774] {strides = array<i32>} : memref<4x128x64xf32, #tpu.memory_space<vmem>>, vector<1x1x16xf32>,
        %swap3A_776 = vector.shape_cast %swap3A_775 : vector<1x1x16xf32> to vector<16xf32>
        %swap3A_777 = vector.shape_cast %mul3A_770 : vector<16xf32> to vector<1x1x16xf32>
        tpu.vector_store %arg7[%swap3A_772, %swap3A_773, %swap3A_774], %swap3A_777 {strides = array<i32>} : memref<4x128x64xf32, #tpu.memory_space<vmem>>, vector<1x1x16xf32>,
      }
      %scan3A_622 = arith.constant 128 : i32
      %mul3A_623 = arith.constant 128 : i32
      %mul3A_624 = arith.muli %add3A_590, %mul3A_623 : i32
      %add3A_625 = arith.addi %mul3A_2, %mul3A_624 : i32
      %dma_start3A_626 = arith.constant 2 : i32
      %dma_start3A_627 = arith.constant 0 : i32
      %dma_start3A_628 = arith.constant 0 : i32
      %dma_start3A_629 = tpu.memref_slice %arg7[%dma_start3A_626, %dma_start3A_627, %dma_start3A_628] : memref<4x128x64xf32, #tpu.memory_space<vmem>> -> memref<1x128x64xf32, #tpu.memory_space<vmem>>
      %dma_start3A_630 = tpu.memref_squeeze %dma_start3A_629 : memref<1x128x64xf32, #tpu.memory_space<vmem>> -> memref<128x64xf32, #tpu.memory_space<vmem>>
      %dma_start3A_631 = arith.constant 0 : i32
      %dma_start3A_632 = tpu.memref_slice %arg4[%add3A_625, %dma_start3A_631] : memref<819200x128xf32, #tpu.memory_space<hbm>> -> memref<128x64xf32, #tpu.memory_space<hbm>>
      %dma_start3A_633 = arith.constant 0 : i32
      %dma_start3A_634 = tpu.memref_slice %arg4[%add3A_625, %dma_start3A_633] : memref<819200x128xf32, #tpu.memory_space<hbm>> -> memref<128x64xf32, #tpu.memory_space<hbm>>
      %dma_start3A_635 = arith.constant 0 : i32
      %dma_start3A_636 = arith.constant 0 : i32
      %dma_start3A_637 = tpu.memref_slice %arg7[%dma_start3A_626, %dma_start3A_635, %dma_start3A_636] : memref<4x128x64xf32, #tpu.memory_space<vmem>> -> memref<1x128x64xf32, #tpu.memory_space<vmem>>
      %dma_start3A_638 = tpu.memref_squeeze %dma_start3A_637 : memref<1x128x64xf32, #tpu.memory_space<vmem>> -> memref<128x64xf32, #tpu.memory_space<vmem>>
      tpu.enqueue_dma source(%dma_start3A_638 : memref<128x64xf32, #tpu.memory_space<vmem>>) target(%dma_start3A_634 : memref<128x64xf32, #tpu.memory_space<hbm>>) target_semaphore(%arg15 : memref<!tpu.dma_semaphore, #tpu.memory_space<semaphore_mem>>)
      %add3A_639 = arith.constant 4 : i32
      %add3A_640 = arith.addi %add3A_590, %add3A_639 : i32
      %mul3A_641 = arith.constant 128 : i32
      %mul3A_642 = arith.muli %add3A_640, %mul3A_641 : i32
      %dma_start3A_643 = arith.constant 2 : i32
      %dma_start3A_644 = arith.constant 0 : i32
      %dma_start3A_645 = arith.constant 0 : i32
      %dma_start3A_646 = tpu.memref_slice %arg6[%dma_start3A_643, %dma_start3A_644, %dma_start3A_645] : memref<4x128x64xf32, #tpu.memory_space<vmem>> -> memref<1x128x64xf32, #tpu.memory_space<vmem>>
      %dma_start3A_647 = tpu.memref_squeeze %dma_start3A_646 : memref<1x128x64xf32, #tpu.memory_space<vmem>> -> memref<128x64xf32, #tpu.memory_space<vmem>>
      %dma_start3A_648 = tpu.memref_slice %arg5[%mul3A_642] : memref<25600xi32, #tpu.memory_space<vmem>> -> memref<128xi32, #tpu.memory_space<vmem>>
      %dma_start3A_649 = arith.constant 0 : i32
      %dma_start3A_650 = arith.constant 0 : i32
      %dma_start3A_651 = tpu.memref_slice %arg3[%dma_start3A_649, %dma_start3A_650] : memref<1000000x64xf32, #tpu.memory_space<hbm>> -> memref<1000000x64xf32, #tpu.memory_space<hbm>>
      tpu.enqueue_indirect_dma source(%dma_start3A_651 : memref<1000000x64xf32, #tpu.memory_space<hbm>>) target(%dma_start3A_647 : memref<128x64xf32, #tpu.memory_space<vmem>>) offsets(%dma_start3A_648 : memref<128xi32, #tpu.memory_space<vmem>>) semaphore(%arg11 : memref<!tpu.dma_semaphore, #tpu.memory_space<semaphore_mem>>)
      %add3A_652 = arith.constant 3 : i32
      %add3A_653 = arith.addi %add3A_462, %add3A_652 : i32
      %dma_wait3A_654 = arith.constant 3 : i32
      %dma_wait3A_655 = arith.constant 0 : i32
      %dma_wait3A_656 = arith.constant 0 : i32
      %dma_wait3A_657 = tpu.memref_slice %arg6[%dma_wait3A_654, %dma_wait3A_655, %dma_wait3A_656] : memref<4x128x64xf32, #tpu.memory_space<vmem>> -> memref<1x128x64xf32, #tpu.memory_space<vmem>>
      %dma_wait3A_658 = tpu.memref_squeeze %dma_wait3A_657 : memref<1x128x64xf32, #tpu.memory_space<vmem>> -> memref<128x64xf32, #tpu.memory_space<vmem>>
      %dma_wait3A_659 = arith.constant 0 : i32
      %dma_wait3A_660 = tpu.memref_slice %arg5[%dma_wait3A_659] : memref<25600xi32, #tpu.memory_space<vmem>> -> memref<128xi32, #tpu.memory_space<vmem>>
      %dma_wait3A_661 = arith.constant 0 : i32
      %dma_wait3A_662 = arith.constant 0 : i32
      %dma_wait3A_663 = tpu.memref_slice %arg3[%dma_wait3A_661, %dma_wait3A_662] : memref<1000000x64xf32, #tpu.memory_space<hbm>> -> memref<1000000x64xf32, #tpu.memory_space<hbm>>
      tpu.wait_indirect_dma semaphore(%arg12 : memref<!tpu.dma_semaphore, #tpu.memory_space<semaphore_mem>>) src(%dma_wait3A_663 : memref<1000000x64xf32, #tpu.memory_space<hbm>>) dst(%dma_wait3A_658 : memref<128x64xf32, #tpu.memory_space<vmem>>)
      %mul3A_664 = arith.constant 128 : i32
      %mul3A_665 = arith.muli %add3A_653, %mul3A_664 : i32
      %add3A_666 = arith.addi %mul3A_2, %mul3A_665 : i32
      %dma_wait3A_667 = arith.constant 3 : i32
      %dma_wait3A_668 = arith.constant 0 : i32
      %dma_wait3A_669 = arith.constant 0 : i32
      %dma_wait3A_670 = tpu.memref_slice %arg7[%dma_wait3A_667, %dma_wait3A_668, %dma_wait3A_669] : memref<4x128x64xf32, #tpu.memory_space<vmem>> -> memref<1x128x64xf32, #tpu.memory_space<vmem>>
      %dma_wait3A_671 = tpu.memref_squeeze %dma_wait3A_670 : memref<1x128x64xf32, #tpu.memory_space<vmem>> -> memref<128x64xf32, #tpu.memory_space<vmem>>
      %dma_wait3A_672 = arith.constant 0 : i32
      %dma_wait3A_673 = tpu.memref_slice %arg4[%add3A_666, %dma_wait3A_672] : memref<819200x128xf32, #tpu.memory_space<hbm>> -> memref<128x64xf32, #tpu.memory_space<hbm>>
      %dma_wait3A_674 = arith.constant 0 : i32
      %dma_wait3A_675 = tpu.memref_slice %arg4[%add3A_666, %dma_wait3A_674] : memref<819200x128xf32, #tpu.memory_space<hbm>> -> memref<128x64xf32, #tpu.memory_space<hbm>>
      %dma_wait3A_676 = arith.constant 0 : i32
      %dma_wait3A_677 = arith.constant 0 : i32
      %dma_wait3A_678 = tpu.memref_slice %arg7[%dma_wait3A_667, %dma_wait3A_676, %dma_wait3A_677] : memref<4x128x64xf32, #tpu.memory_space<vmem>> -> memref<1x128x64xf32, #tpu.memory_space<vmem>>
      %dma_wait3A_679 = tpu.memref_squeeze %dma_wait3A_678 : memref<1x128x64xf32, #tpu.memory_space<vmem>> -> memref<128x64xf32, #tpu.memory_space<vmem>>
      tpu.wait_dma2 semaphore(%arg16 : memref<!tpu.dma_semaphore, #tpu.memory_space<semaphore_mem>>) src(%dma_wait3A_679 : memref<128x64xf32, #tpu.memory_space<vmem>>) dst(%dma_wait3A_675 : memref<128x64xf32, #tpu.memory_space<hbm>>)
      %scan3A_680 = arith.constant 0 : i32
      %scan3A_681 = arith.constant 0 : i32
      %scan3A_682 = arith.constant 128 : i32
      %scan3A_683 = arith.addi %scan3A_681, %scan3A_682 : i32
      %scan3A_684 = arith.constant 1 : i32
      scf.for %scan3A_715 = %scan3A_681 to %scan3A_683 step %scan3A_684  : i32 {
        %get3A = arith.constant 3 : i32
        %get3A_716 = arith.index_cast %get3A : i32 to index
        %get3A_717 = arith.index_cast %scan3A_715 : i32 to index
        %get3A_718 = arith.constant 0 : index
        %get3A_719 = tpu.vector_load %arg6[%get3A_716, %get3A_717, %get3A_718] {strides = array<i32>} : memref<4x128x64xf32, #tpu.memory_space<vmem>>, vector<1x1x16xf32>,
        %get3A_720 = vector.shape_cast %get3A_719 : vector<1x1x16xf32> to vector<16xf32>
        %mul3A_721 = arith.constant 8.000000e+00 : f32
        %mul3A_722 = vector.broadcast %mul3A_721 : f32 to vector<16xf32>
        %mul3A_723 = arith.mulf %get3A_720, %mul3A_722 : vector<16xf32>
        %swap3A = arith.constant 3 : i32
        %swap3A_724 = arith.index_cast %swap3A : i32 to index
        %swap3A_725 = arith.index_cast %scan3A_715 : i32 to index
        %swap3A_726 = arith.constant 0 : index
        %swap3A_727 = tpu.vector_load %arg7[%swap3A_724, %swap3A_725, %swap3A_726] {strides = array<i32>} : memref<4x128x64xf32, #tpu.memory_space<vmem>>, vector<1x1x16xf32>,
        %swap3A_728 = vector.shape_cast %swap3A_727 : vector<1x1x16xf32> to vector<16xf32>
        %swap3A_729 = vector.shape_cast %mul3A_723 : vector<16xf32> to vector<1x1x16xf32>
        tpu.vector_store %arg7[%swap3A_724, %swap3A_725, %swap3A_726], %swap3A_729 {strides = array<i32>} : memref<4x128x64xf32, #tpu.memory_space<vmem>>, vector<1x1x16xf32>,
        %get3A_730 = arith.constant 3 : i32
        %get3A_731 = arith.index_cast %get3A_730 : i32 to index
        %get3A_732 = arith.index_cast %scan3A_715 : i32 to index
        %get3A_733 = arith.constant 16 : index
        %get3A_734 = tpu.vector_load %arg6[%get3A_731, %get3A_732, %get3A_733] {strides = array<i32>} : memref<4x128x64xf32, #tpu.memory_space<vmem>>, vector<1x1x16xf32>,
        %get3A_735 = vector.shape_cast %get3A_734 : vector<1x1x16xf32> to vector<16xf32>
        %mul3A_736 = arith.constant 8.000000e+00 : f32
        %mul3A_737 = vector.broadcast %mul3A_736 : f32 to vector<16xf32>
        %mul3A_738 = arith.mulf %get3A_735, %mul3A_737 : vector<16xf32>
        %swap3A_739 = arith.constant 3 : i32
        %swap3A_740 = arith.index_cast %swap3A_739 : i32 to index
        %swap3A_741 = arith.index_cast %scan3A_715 : i32 to index
        %swap3A_742 = arith.constant 16 : index
        %swap3A_743 = tpu.vector_load %arg7[%swap3A_740, %swap3A_741, %swap3A_742] {strides = array<i32>} : memref<4x128x64xf32, #tpu.memory_space<vmem>>, vector<1x1x16xf32>,
        %swap3A_744 = vector.shape_cast %swap3A_743 : vector<1x1x16xf32> to vector<16xf32>
        %swap3A_745 = vector.shape_cast %mul3A_738 : vector<16xf32> to vector<1x1x16xf32>
        tpu.vector_store %arg7[%swap3A_740, %swap3A_741, %swap3A_742], %swap3A_745 {strides = array<i32>} : memref<4x128x64xf32, #tpu.memory_space<vmem>>, vector<1x1x16xf32>,
        %get3A_746 = arith.constant 3 : i32
        %get3A_747 = arith.index_cast %get3A_746 : i32 to index
        %get3A_748 = arith.index_cast %scan3A_715 : i32 to index
        %get3A_749 = arith.constant 32 : index
        %get3A_750 = tpu.vector_load %arg6[%get3A_747, %get3A_748, %get3A_749] {strides = array<i32>} : memref<4x128x64xf32, #tpu.memory_space<vmem>>, vector<1x1x16xf32>,
        %get3A_751 = vector.shape_cast %get3A_750 : vector<1x1x16xf32> to vector<16xf32>
        %mul3A_752 = arith.constant 8.000000e+00 : f32
        %mul3A_753 = vector.broadcast %mul3A_752 : f32 to vector<16xf32>
        %mul3A_754 = arith.mulf %get3A_751, %mul3A_753 : vector<16xf32>
        %swap3A_755 = arith.constant 3 : i32
        %swap3A_756 = arith.index_cast %swap3A_755 : i32 to index
        %swap3A_757 = arith.index_cast %scan3A_715 : i32 to index
        %swap3A_758 = arith.constant 32 : index
        %swap3A_759 = tpu.vector_load %arg7[%swap3A_756, %swap3A_757, %swap3A_758] {strides = array<i32>} : memref<4x128x64xf32, #tpu.memory_space<vmem>>, vector<1x1x16xf32>,
        %swap3A_760 = vector.shape_cast %swap3A_759 : vector<1x1x16xf32> to vector<16xf32>
        %swap3A_761 = vector.shape_cast %mul3A_754 : vector<16xf32> to vector<1x1x16xf32>
        tpu.vector_store %arg7[%swap3A_756, %swap3A_757, %swap3A_758], %swap3A_761 {strides = array<i32>} : memref<4x128x64xf32, #tpu.memory_space<vmem>>, vector<1x1x16xf32>,
        %get3A_762 = arith.constant 3 : i32
        %get3A_763 = arith.index_cast %get3A_762 : i32 to index
        %get3A_764 = arith.index_cast %scan3A_715 : i32 to index
        %get3A_765 = arith.constant 48 : index
        %get3A_766 = tpu.vector_load %arg6[%get3A_763, %get3A_764, %get3A_765] {strides = array<i32>} : memref<4x128x64xf32, #tpu.memory_space<vmem>>, vector<1x1x16xf32>,
        %get3A_767 = vector.shape_cast %get3A_766 : vector<1x1x16xf32> to vector<16xf32>
        %mul3A_768 = arith.constant 8.000000e+00 : f32
        %mul3A_769 = vector.broadcast %mul3A_768 : f32 to vector<16xf32>
        %mul3A_770 = arith.mulf %get3A_767, %mul3A_769 : vector<16xf32>
        %swap3A_771 = arith.constant 3 : i32
        %swap3A_772 = arith.index_cast %swap3A_771 : i32 to index
        %swap3A_773 = arith.index_cast %scan3A_715 : i32 to index
        %swap3A_774 = arith.constant 48 : index
        %swap3A_775 = tpu.vector_load %arg7[%swap3A_772, %swap3A_773, %swap3A_774] {strides = array<i32>} : memref<4x128x64xf32, #tpu.memory_space<vmem>>, vector<1x1x16xf32>,
        %swap3A_776 = vector.shape_cast %swap3A_775 : vector<1x1x16xf32> to vector<16xf32>
        %swap3A_777 = vector.shape_cast %mul3A_770 : vector<16xf32> to vector<1x1x16xf32>
        tpu.vector_store %arg7[%swap3A_772, %swap3A_773, %swap3A_774], %swap3A_777 {strides = array<i32>} : memref<4x128x64xf32, #tpu.memory_space<vmem>>, vector<1x1x16xf32>,
      }
      %scan3A_685 = arith.constant 128 : i32
      %mul3A_686 = arith.constant 128 : i32
      %mul3A_687 = arith.muli %add3A_653, %mul3A_686 : i32
      %add3A_688 = arith.addi %mul3A_2, %mul3A_687 : i32
      %dma_start3A_689 = arith.constant 3 : i32
      %dma_start3A_690 = arith.constant 0 : i32
      %dma_start3A_691 = arith.constant 0 : i32
      %dma_start3A_692 = tpu.memref_slice %arg7[%dma_start3A_689, %dma_start3A_690, %dma_start3A_691] : memref<4x128x64xf32, #tpu.memory_space<vmem>> -> memref<1x128x64xf32, #tpu.memory_space<vmem>>
      %dma_start3A_693 = tpu.memref_squeeze %dma_start3A_692 : memref<1x128x64xf32, #tpu.memory_space<vmem>> -> memref<128x64xf32, #tpu.memory_space<vmem>>
      %dma_start3A_694 = arith.constant 0 : i32
      %dma_start3A_695 = tpu.memref_slice %arg4[%add3A_688, %dma_start3A_694] : memref<819200x128xf32, #tpu.memory_space<hbm>> -> memref<128x64xf32, #tpu.memory_space<hbm>>
      %dma_start3A_696 = arith.constant 0 : i32
      %dma_start3A_697 = tpu.memref_slice %arg4[%add3A_688, %dma_start3A_696] : memref<819200x128xf32, #tpu.memory_space<hbm>> -> memref<128x64xf32, #tpu.memory_space<hbm>>
      %dma_start3A_698 = arith.constant 0 : i32
      %dma_start3A_699 = arith.constant 0 : i32
      %dma_start3A_700 = tpu.memref_slice %arg7[%dma_start3A_689, %dma_start3A_698, %dma_start3A_699] : memref<4x128x64xf32, #tpu.memory_space<vmem>> -> memref<1x128x64xf32, #tpu.memory_space<vmem>>
      %dma_start3A_701 = tpu.memref_squeeze %dma_start3A_700 : memref<1x128x64xf32, #tpu.memory_space<vmem>> -> memref<128x64xf32, #tpu.memory_space<vmem>>
      tpu.enqueue_dma source(%dma_start3A_701 : memref<128x64xf32, #tpu.memory_space<vmem>>) target(%dma_start3A_697 : memref<128x64xf32, #tpu.memory_space<hbm>>) target_semaphore(%arg16 : memref<!tpu.dma_semaphore, #tpu.memory_space<semaphore_mem>>)
      %add3A_702 = arith.constant 4 : i32
      %add3A_703 = arith.addi %add3A_653, %add3A_702 : i32
      %mul3A_704 = arith.constant 128 : i32
      %mul3A_705 = arith.muli %add3A_703, %mul3A_704 : i32
      %dma_start3A_706 = arith.constant 3 : i32
      %dma_start3A_707 = arith.constant 0 : i32
      %dma_start3A_708 = arith.constant 0 : i32
      %dma_start3A_709 = tpu.memref_slice %arg6[%dma_start3A_706, %dma_start3A_707, %dma_start3A_708] : memref<4x128x64xf32, #tpu.memory_space<vmem>> -> memref<1x128x64xf32, #tpu.memory_space<vmem>>
      %dma_start3A_710 = tpu.memref_squeeze %dma_start3A_709 : memref<1x128x64xf32, #tpu.memory_space<vmem>> -> memref<128x64xf32, #tpu.memory_space<vmem>>
      %dma_start3A_711 = tpu.memref_slice %arg5[%mul3A_705] : memref<25600xi32, #tpu.memory_space<vmem>> -> memref<128xi32, #tpu.memory_space<vmem>>
      %dma_start3A_712 = arith.constant 0 : i32
      %dma_start3A_713 = arith.constant 0 : i32
      %dma_start3A_714 = tpu.memref_slice %arg3[%dma_start3A_712, %dma_start3A_713] : memref<1000000x64xf32, #tpu.memory_space<hbm>> -> memref<1000000x64xf32, #tpu.memory_space<hbm>>
      tpu.enqueue_indirect_dma source(%dma_start3A_714 : memref<1000000x64xf32, #tpu.memory_space<hbm>>) target(%dma_start3A_710 : memref<128x64xf32, #tpu.memory_space<vmem>>) offsets(%dma_start3A_711 : memref<128xi32, #tpu.memory_space<vmem>>) semaphore(%arg12 : memref<!tpu.dma_semaphore, #tpu.memory_space<semaphore_mem>>)
    }
    %scan3A_213 = arith.constant 48 : i32
    %dma_wait3A_214 = arith.constant 0 : i32
    %dma_wait3A_215 = arith.constant 0 : i32
    %dma_wait3A_216 = arith.constant 0 : i32
    %dma_wait3A_217 = tpu.memref_slice %arg6[%dma_wait3A_214, %dma_wait3A_215, %dma_wait3A_216] : memref<4x128x64xf32, #tpu.memory_space<vmem>> -> memref<1x128x64xf32, #tpu.memory_space<vmem>>
    %dma_wait3A_218 = tpu.memref_squeeze %dma_wait3A_217 : memref<1x128x64xf32, #tpu.memory_space<vmem>> -> memref<128x64xf32, #tpu.memory_space<vmem>>
    %dma_wait3A_219 = arith.constant 0 : i32
    %dma_wait3A_220 = tpu.memref_slice %arg5[%dma_wait3A_219] : memref<25600xi32, #tpu.memory_space<vmem>> -> memref<128xi32, #tpu.memory_space<vmem>>
    %dma_wait3A_221 = arith.constant 0 : i32
    %dma_wait3A_222 = arith.constant 0 : i32
    %dma_wait3A_223 = tpu.memref_slice %arg3[%dma_wait3A_221, %dma_wait3A_222] : memref<1000000x64xf32, #tpu.memory_space<hbm>> -> memref<1000000x64xf32, #tpu.memory_space<hbm>>
    tpu.wait_indirect_dma semaphore(%arg9 : memref<!tpu.dma_semaphore, #tpu.memory_space<semaphore_mem>>) src(%dma_wait3A_223 : memref<1000000x64xf32, #tpu.memory_space<hbm>>) dst(%dma_wait3A_218 : memref<128x64xf32, #tpu.memory_space<vmem>>)
    %add3A_224 = arith.constant 25088 : i32
    %add3A_225 = arith.addi %mul3A_2, %add3A_224 : i32
    %dma_wait3A_226 = arith.constant 0 : i32
    %dma_wait3A_227 = arith.constant 0 : i32
    %dma_wait3A_228 = arith.constant 0 : i32
    %dma_wait3A_229 = tpu.memref_slice %arg7[%dma_wait3A_226, %dma_wait3A_227, %dma_wait3A_228] : memref<4x128x64xf32, #tpu.memory_space<vmem>> -> memref<1x128x64xf32, #tpu.memory_space<vmem>>
    %dma_wait3A_230 = tpu.memref_squeeze %dma_wait3A_229 : memref<1x128x64xf32, #tpu.memory_space<vmem>> -> memref<128x64xf32, #tpu.memory_space<vmem>>
    %dma_wait3A_231 = arith.constant 0 : i32
    %dma_wait3A_232 = tpu.memref_slice %arg4[%add3A_225, %dma_wait3A_231] : memref<819200x128xf32, #tpu.memory_space<hbm>> -> memref<128x64xf32, #tpu.memory_space<hbm>>
    %dma_wait3A_233 = arith.constant 0 : i32
    %dma_wait3A_234 = tpu.memref_slice %arg4[%add3A_225, %dma_wait3A_233] : memref<819200x128xf32, #tpu.memory_space<hbm>> -> memref<128x64xf32, #tpu.memory_space<hbm>>
    %dma_wait3A_235 = arith.constant 0 : i32
    %dma_wait3A_236 = arith.constant 0 : i32
    %dma_wait3A_237 = tpu.memref_slice %arg7[%dma_wait3A_226, %dma_wait3A_235, %dma_wait3A_236] : memref<4x128x64xf32, #tpu.memory_space<vmem>> -> memref<1x128x64xf32, #tpu.memory_space<vmem>>
    %dma_wait3A_238 = tpu.memref_squeeze %dma_wait3A_237 : memref<1x128x64xf32, #tpu.memory_space<vmem>> -> memref<128x64xf32, #tpu.memory_space<vmem>>
    tpu.wait_dma2 semaphore(%arg13 : memref<!tpu.dma_semaphore, #tpu.memory_space<semaphore_mem>>) src(%dma_wait3A_238 : memref<128x64xf32, #tpu.memory_space<vmem>>) dst(%dma_wait3A_234 : memref<128x64xf32, #tpu.memory_space<hbm>>)
    %scan3A_239 = arith.constant 0 : i32
    %scan3A_240 = arith.constant 0 : i32
    %scan3A_241 = arith.constant 128 : i32
    %scan3A_242 = arith.addi %scan3A_240, %scan3A_241 : i32
    %scan3A_243 = arith.constant 1 : i32
    scf.for %scan3A_458 = %scan3A_240 to %scan3A_242 step %scan3A_243  : i32 {
      %get3A = arith.constant 0 : i32
      %get3A_459 = arith.index_cast %get3A : i32 to index
      %get3A_460 = arith.index_cast %scan3A_458 : i32 to index
      %get3A_461 = arith.constant 0 : index
      %get3A_462 = tpu.vector_load %arg6[%get3A_459, %get3A_460, %get3A_461] {strides = array<i32>} : memref<4x128x64xf32, #tpu.memory_space<vmem>>, vector<1x1x16xf32>,
      %get3A_463 = vector.shape_cast %get3A_462 : vector<1x1x16xf32> to vector<16xf32>
      %mul3A_464 = arith.constant 8.000000e+00 : f32
      %mul3A_465 = vector.broadcast %mul3A_464 : f32 to vector<16xf32>
      %mul3A_466 = arith.mulf %get3A_463, %mul3A_465 : vector<16xf32>
      %swap3A = arith.constant 0 : i32
      %swap3A_467 = arith.index_cast %swap3A : i32 to index
      %swap3A_468 = arith.index_cast %scan3A_458 : i32 to index
      %swap3A_469 = arith.constant 0 : index
      %swap3A_470 = tpu.vector_load %arg7[%swap3A_467, %swap3A_468, %swap3A_469] {strides = array<i32>} : memref<4x128x64xf32, #tpu.memory_space<vmem>>, vector<1x1x16xf32>,
      %swap3A_471 = vector.shape_cast %swap3A_470 : vector<1x1x16xf32> to vector<16xf32>
      %swap3A_472 = vector.shape_cast %mul3A_466 : vector<16xf32> to vector<1x1x16xf32>
      tpu.vector_store %arg7[%swap3A_467, %swap3A_468, %swap3A_469], %swap3A_472 {strides = array<i32>} : memref<4x128x64xf32, #tpu.memory_space<vmem>>, vector<1x1x16xf32>,
      %get3A_473 = arith.constant 0 : i32
      %get3A_474 = arith.index_cast %get3A_473 : i32 to index
      %get3A_475 = arith.index_cast %scan3A_458 : i32 to index
      %get3A_476 = arith.constant 16 : index
      %get3A_477 = tpu.vector_load %arg6[%get3A_474, %get3A_475, %get3A_476] {strides = array<i32>} : memref<4x128x64xf32, #tpu.memory_space<vmem>>, vector<1x1x16xf32>,
      %get3A_478 = vector.shape_cast %get3A_477 : vector<1x1x16xf32> to vector<16xf32>
      %mul3A_479 = arith.constant 8.000000e+00 : f32
      %mul3A_480 = vector.broadcast %mul3A_479 : f32 to vector<16xf32>
      %mul3A_481 = arith.mulf %get3A_478, %mul3A_480 : vector<16xf32>
      %swap3A_482 = arith.constant 0 : i32
      %swap3A_483 = arith.index_cast %swap3A_482 : i32 to index
      %swap3A_484 = arith.index_cast %scan3A_458 : i32 to index
      %swap3A_485 = arith.constant 16 : index
      %swap3A_486 = tpu.vector_load %arg7[%swap3A_483, %swap3A_484, %swap3A_485] {strides = array<i32>} : memref<4x128x64xf32, #tpu.memory_space<vmem>>, vector<1x1x16xf32>,
      %swap3A_487 = vector.shape_cast %swap3A_486 : vector<1x1x16xf32> to vector<16xf32>
      %swap3A_488 = vector.shape_cast %mul3A_481 : vector<16xf32> to vector<1x1x16xf32>
      tpu.vector_store %arg7[%swap3A_483, %swap3A_484, %swap3A_485], %swap3A_488 {strides = array<i32>} : memref<4x128x64xf32, #tpu.memory_space<vmem>>, vector<1x1x16xf32>,
      %get3A_489 = arith.constant 0 : i32
      %get3A_490 = arith.index_cast %get3A_489 : i32 to index
      %get3A_491 = arith.index_cast %scan3A_458 : i32 to index
      %get3A_492 = arith.constant 32 : index
      %get3A_493 = tpu.vector_load %arg6[%get3A_490, %get3A_491, %get3A_492] {strides = array<i32>} : memref<4x128x64xf32, #tpu.memory_space<vmem>>, vector<1x1x16xf32>,
      %get3A_494 = vector.shape_cast %get3A_493 : vector<1x1x16xf32> to vector<16xf32>
      %mul3A_495 = arith.constant 8.000000e+00 : f32
      %mul3A_496 = vector.broadcast %mul3A_495 : f32 to vector<16xf32>
      %mul3A_497 = arith.mulf %get3A_494, %mul3A_496 : vector<16xf32>
      %swap3A_498 = arith.constant 0 : i32
      %swap3A_499 = arith.index_cast %swap3A_498 : i32 to index
      %swap3A_500 = arith.index_cast %scan3A_458 : i32 to index
      %swap3A_501 = arith.constant 32 : index
      %swap3A_502 = tpu.vector_load %arg7[%swap3A_499, %swap3A_500, %swap3A_501] {strides = array<i32>} : memref<4x128x64xf32, #tpu.memory_space<vmem>>, vector<1x1x16xf32>,
      %swap3A_503 = vector.shape_cast %swap3A_502 : vector<1x1x16xf32> to vector<16xf32>
      %swap3A_504 = vector.shape_cast %mul3A_497 : vector<16xf32> to vector<1x1x16xf32>
      tpu.vector_store %arg7[%swap3A_499, %swap3A_500, %swap3A_501], %swap3A_504 {strides = array<i32>} : memref<4x128x64xf32, #tpu.memory_space<vmem>>, vector<1x1x16xf32>,
      %get3A_505 = arith.constant 0 : i32
      %get3A_506 = arith.index_cast %get3A_505 : i32 to index
      %get3A_507 = arith.index_cast %scan3A_458 : i32 to index
      %get3A_508 = arith.constant 48 : index
      %get3A_509 = tpu.vector_load %arg6[%get3A_506, %get3A_507, %get3A_508] {strides = array<i32>} : memref<4x128x64xf32, #tpu.memory_space<vmem>>, vector<1x1x16xf32>,
      %get3A_510 = vector.shape_cast %get3A_509 : vector<1x1x16xf32> to vector<16xf32>
      %mul3A_511 = arith.constant 8.000000e+00 : f32
      %mul3A_512 = vector.broadcast %mul3A_511 : f32 to vector<16xf32>
      %mul3A_513 = arith.mulf %get3A_510, %mul3A_512 : vector<16xf32>
      %swap3A_514 = arith.constant 0 : i32
      %swap3A_515 = arith.index_cast %swap3A_514 : i32 to index
      %swap3A_516 = arith.index_cast %scan3A_458 : i32 to index
      %swap3A_517 = arith.constant 48 : index
      %swap3A_518 = tpu.vector_load %arg7[%swap3A_515, %swap3A_516, %swap3A_517] {strides = array<i32>} : memref<4x128x64xf32, #tpu.memory_space<vmem>>, vector<1x1x16xf32>,
      %swap3A_519 = vector.shape_cast %swap3A_518 : vector<1x1x16xf32> to vector<16xf32>
      %swap3A_520 = vector.shape_cast %mul3A_513 : vector<16xf32> to vector<1x1x16xf32>
      tpu.vector_store %arg7[%swap3A_515, %swap3A_516, %swap3A_517], %swap3A_520 {strides = array<i32>} : memref<4x128x64xf32, #tpu.memory_space<vmem>>, vector<1x1x16xf32>,
    }
    %scan3A_244 = arith.constant 128 : i32
    %add3A_245 = arith.constant 25088 : i32
    %add3A_246 = arith.addi %mul3A_2, %add3A_245 : i32
    %dma_start3A_247 = arith.constant 0 : i32
    %dma_start3A_248 = arith.constant 0 : i32
    %dma_start3A_249 = arith.constant 0 : i32
    %dma_start3A_250 = tpu.memref_slice %arg7[%dma_start3A_247, %dma_start3A_248, %dma_start3A_249] : memref<4x128x64xf32, #tpu.memory_space<vmem>> -> memref<1x128x64xf32, #tpu.memory_space<vmem>>
    %dma_start3A_251 = tpu.memref_squeeze %dma_start3A_250 : memref<1x128x64xf32, #tpu.memory_space<vmem>> -> memref<128x64xf32, #tpu.memory_space<vmem>>
    %dma_start3A_252 = arith.constant 0 : i32
    %dma_start3A_253 = tpu.memref_slice %arg4[%add3A_246, %dma_start3A_252] : memref<819200x128xf32, #tpu.memory_space<hbm>> -> memref<128x64xf32, #tpu.memory_space<hbm>>
    %dma_start3A_254 = arith.constant 0 : i32
    %dma_start3A_255 = tpu.memref_slice %arg4[%add3A_246, %dma_start3A_254] : memref<819200x128xf32, #tpu.memory_space<hbm>> -> memref<128x64xf32, #tpu.memory_space<hbm>>
    %dma_start3A_256 = arith.constant 0 : i32
    %dma_start3A_257 = arith.constant 0 : i32
    %dma_start3A_258 = tpu.memref_slice %arg7[%dma_start3A_247, %dma_start3A_256, %dma_start3A_257] : memref<4x128x64xf32, #tpu.memory_space<vmem>> -> memref<1x128x64xf32, #tpu.memory_space<vmem>>
    %dma_start3A_259 = tpu.memref_squeeze %dma_start3A_258 : memref<1x128x64xf32, #tpu.memory_space<vmem>> -> memref<128x64xf32, #tpu.memory_space<vmem>>
    tpu.enqueue_dma source(%dma_start3A_259 : memref<128x64xf32, #tpu.memory_space<vmem>>) target(%dma_start3A_255 : memref<128x64xf32, #tpu.memory_space<hbm>>) target_semaphore(%arg13 : memref<!tpu.dma_semaphore, #tpu.memory_space<semaphore_mem>>)
    %dma_wait3A_260 = arith.constant 1 : i32
    %dma_wait3A_261 = arith.constant 0 : i32
    %dma_wait3A_262 = arith.constant 0 : i32
    %dma_wait3A_263 = tpu.memref_slice %arg6[%dma_wait3A_260, %dma_wait3A_261, %dma_wait3A_262] : memref<4x128x64xf32, #tpu.memory_space<vmem>> -> memref<1x128x64xf32, #tpu.memory_space<vmem>>
    %dma_wait3A_264 = tpu.memref_squeeze %dma_wait3A_263 : memref<1x128x64xf32, #tpu.memory_space<vmem>> -> memref<128x64xf32, #tpu.memory_space<vmem>>
    %dma_wait3A_265 = arith.constant 0 : i32
    %dma_wait3A_266 = tpu.memref_slice %arg5[%dma_wait3A_265] : memref<25600xi32, #tpu.memory_space<vmem>> -> memref<128xi32, #tpu.memory_space<vmem>>
    %dma_wait3A_267 = arith.constant 0 : i32
    %dma_wait3A_268 = arith.constant 0 : i32
    %dma_wait3A_269 = tpu.memref_slice %arg3[%dma_wait3A_267, %dma_wait3A_268] : memref<1000000x64xf32, #tpu.memory_space<hbm>> -> memref<1000000x64xf32, #tpu.memory_space<hbm>>
    tpu.wait_indirect_dma semaphore(%arg10 : memref<!tpu.dma_semaphore, #tpu.memory_space<semaphore_mem>>) src(%dma_wait3A_269 : memref<1000000x64xf32, #tpu.memory_space<hbm>>) dst(%dma_wait3A_264 : memref<128x64xf32, #tpu.memory_space<vmem>>)
    %add3A_270 = arith.constant 25216 : i32
    %add3A_271 = arith.addi %mul3A_2, %add3A_270 : i32
    %dma_wait3A_272 = arith.constant 1 : i32
    %dma_wait3A_273 = arith.constant 0 : i32
    %dma_wait3A_274 = arith.constant 0 : i32
    %dma_wait3A_275 = tpu.memref_slice %arg7[%dma_wait3A_272, %dma_wait3A_273, %dma_wait3A_274] : memref<4x128x64xf32, #tpu.memory_space<vmem>> -> memref<1x128x64xf32, #tpu.memory_space<vmem>>
    %dma_wait3A_276 = tpu.memref_squeeze %dma_wait3A_275 : memref<1x128x64xf32, #tpu.memory_space<vmem>> -> memref<128x64xf32, #tpu.memory_space<vmem>>
    %dma_wait3A_277 = arith.constant 0 : i32
    %dma_wait3A_278 = tpu.memref_slice %arg4[%add3A_271, %dma_wait3A_277] : memref<819200x128xf32, #tpu.memory_space<hbm>> -> memref<128x64xf32, #tpu.memory_space<hbm>>
    %dma_wait3A_279 = arith.constant 0 : i32
    %dma_wait3A_280 = tpu.memref_slice %arg4[%add3A_271, %dma_wait3A_279] : memref<819200x128xf32, #tpu.memory_space<hbm>> -> memref<128x64xf32, #tpu.memory_space<hbm>>
    %dma_wait3A_281 = arith.constant 0 : i32
    %dma_wait3A_282 = arith.constant 0 : i32
    %dma_wait3A_283 = tpu.memref_slice %arg7[%dma_wait3A_272, %dma_wait3A_281, %dma_wait3A_282] : memref<4x128x64xf32, #tpu.memory_space<vmem>> -> memref<1x128x64xf32, #tpu.memory_space<vmem>>
    %dma_wait3A_284 = tpu.memref_squeeze %dma_wait3A_283 : memref<1x128x64xf32, #tpu.memory_space<vmem>> -> memref<128x64xf32, #tpu.memory_space<vmem>>
    tpu.wait_dma2 semaphore(%arg14 : memref<!tpu.dma_semaphore, #tpu.memory_space<semaphore_mem>>) src(%dma_wait3A_284 : memref<128x64xf32, #tpu.memory_space<vmem>>) dst(%dma_wait3A_280 : memref<128x64xf32, #tpu.memory_space<hbm>>)
    %scan3A_285 = arith.constant 0 : i32
    %scan3A_286 = arith.constant 0 : i32
    %scan3A_287 = arith.constant 128 : i32
    %scan3A_288 = arith.addi %scan3A_286, %scan3A_287 : i32
    %scan3A_289 = arith.constant 1 : i32
    scf.for %scan3A_458 = %scan3A_286 to %scan3A_288 step %scan3A_289  : i32 {
      %get3A = arith.constant 1 : i32
      %get3A_459 = arith.index_cast %get3A : i32 to index
      %get3A_460 = arith.index_cast %scan3A_458 : i32 to index
      %get3A_461 = arith.constant 0 : index
      %get3A_462 = tpu.vector_load %arg6[%get3A_459, %get3A_460, %get3A_461] {strides = array<i32>} : memref<4x128x64xf32, #tpu.memory_space<vmem>>, vector<1x1x16xf32>,
      %get3A_463 = vector.shape_cast %get3A_462 : vector<1x1x16xf32> to vector<16xf32>
      %mul3A_464 = arith.constant 8.000000e+00 : f32
      %mul3A_465 = vector.broadcast %mul3A_464 : f32 to vector<16xf32>
      %mul3A_466 = arith.mulf %get3A_463, %mul3A_465 : vector<16xf32>
      %swap3A = arith.constant 1 : i32
      %swap3A_467 = arith.index_cast %swap3A : i32 to index
      %swap3A_468 = arith.index_cast %scan3A_458 : i32 to index
      %swap3A_469 = arith.constant 0 : index
      %swap3A_470 = tpu.vector_load %arg7[%swap3A_467, %swap3A_468, %swap3A_469] {strides = array<i32>} : memref<4x128x64xf32, #tpu.memory_space<vmem>>, vector<1x1x16xf32>,
      %swap3A_471 = vector.shape_cast %swap3A_470 : vector<1x1x16xf32> to vector<16xf32>
      %swap3A_472 = vector.shape_cast %mul3A_466 : vector<16xf32> to vector<1x1x16xf32>
      tpu.vector_store %arg7[%swap3A_467, %swap3A_468, %swap3A_469], %swap3A_472 {strides = array<i32>} : memref<4x128x64xf32, #tpu.memory_space<vmem>>, vector<1x1x16xf32>,
      %get3A_473 = arith.constant 1 : i32
      %get3A_474 = arith.index_cast %get3A_473 : i32 to index
      %get3A_475 = arith.index_cast %scan3A_458 : i32 to index
      %get3A_476 = arith.constant 16 : index
      %get3A_477 = tpu.vector_load %arg6[%get3A_474, %get3A_475, %get3A_476] {strides = array<i32>} : memref<4x128x64xf32, #tpu.memory_space<vmem>>, vector<1x1x16xf32>,
      %get3A_478 = vector.shape_cast %get3A_477 : vector<1x1x16xf32> to vector<16xf32>
      %mul3A_479 = arith.constant 8.000000e+00 : f32
      %mul3A_480 = vector.broadcast %mul3A_479 : f32 to vector<16xf32>
      %mul3A_481 = arith.mulf %get3A_478, %mul3A_480 : vector<16xf32>
      %swap3A_482 = arith.constant 1 : i32
      %swap3A_483 = arith.index_cast %swap3A_482 : i32 to index
      %swap3A_484 = arith.index_cast %scan3A_458 : i32 to index
      %swap3A_485 = arith.constant 16 : index
      %swap3A_486 = tpu.vector_load %arg7[%swap3A_483, %swap3A_484, %swap3A_485] {strides = array<i32>} : memref<4x128x64xf32, #tpu.memory_space<vmem>>, vector<1x1x16xf32>,
      %swap3A_487 = vector.shape_cast %swap3A_486 : vector<1x1x16xf32> to vector<16xf32>
      %swap3A_488 = vector.shape_cast %mul3A_481 : vector<16xf32> to vector<1x1x16xf32>
      tpu.vector_store %arg7[%swap3A_483, %swap3A_484, %swap3A_485], %swap3A_488 {strides = array<i32>} : memref<4x128x64xf32, #tpu.memory_space<vmem>>, vector<1x1x16xf32>,
      %get3A_489 = arith.constant 1 : i32
      %get3A_490 = arith.index_cast %get3A_489 : i32 to index
      %get3A_491 = arith.index_cast %scan3A_458 : i32 to index
      %get3A_492 = arith.constant 32 : index
      %get3A_493 = tpu.vector_load %arg6[%get3A_490, %get3A_491, %get3A_492] {strides = array<i32>} : memref<4x128x64xf32, #tpu.memory_space<vmem>>, vector<1x1x16xf32>,
      %get3A_494 = vector.shape_cast %get3A_493 : vector<1x1x16xf32> to vector<16xf32>
      %mul3A_495 = arith.constant 8.000000e+00 : f32
      %mul3A_496 = vector.broadcast %mul3A_495 : f32 to vector<16xf32>
      %mul3A_497 = arith.mulf %get3A_494, %mul3A_496 : vector<16xf32>
      %swap3A_498 = arith.constant 1 : i32
      %swap3A_499 = arith.index_cast %swap3A_498 : i32 to index
      %swap3A_500 = arith.index_cast %scan3A_458 : i32 to index
      %swap3A_501 = arith.constant 32 : index
      %swap3A_502 = tpu.vector_load %arg7[%swap3A_499, %swap3A_500, %swap3A_501] {strides = array<i32>} : memref<4x128x64xf32, #tpu.memory_space<vmem>>, vector<1x1x16xf32>,
      %swap3A_503 = vector.shape_cast %swap3A_502 : vector<1x1x16xf32> to vector<16xf32>
      %swap3A_504 = vector.shape_cast %mul3A_497 : vector<16xf32> to vector<1x1x16xf32>
      tpu.vector_store %arg7[%swap3A_499, %swap3A_500, %swap3A_501], %swap3A_504 {strides = array<i32>} : memref<4x128x64xf32, #tpu.memory_space<vmem>>, vector<1x1x16xf32>,
      %get3A_505 = arith.constant 1 : i32
      %get3A_506 = arith.index_cast %get3A_505 : i32 to index
      %get3A_507 = arith.index_cast %scan3A_458 : i32 to index
      %get3A_508 = arith.constant 48 : index
      %get3A_509 = tpu.vector_load %arg6[%get3A_506, %get3A_507, %get3A_508] {strides = array<i32>} : memref<4x128x64xf32, #tpu.memory_space<vmem>>, vector<1x1x16xf32>,
      %get3A_510 = vector.shape_cast %get3A_509 : vector<1x1x16xf32> to vector<16xf32>
      %mul3A_511 = arith.constant 8.000000e+00 : f32
      %mul3A_512 = vector.broadcast %mul3A_511 : f32 to vector<16xf32>
      %mul3A_513 = arith.mulf %get3A_510, %mul3A_512 : vector<16xf32>
      %swap3A_514 = arith.constant 1 : i32
      %swap3A_515 = arith.index_cast %swap3A_514 : i32 to index
      %swap3A_516 = arith.index_cast %scan3A_458 : i32 to index
      %swap3A_517 = arith.constant 48 : index
      %swap3A_518 = tpu.vector_load %arg7[%swap3A_515, %swap3A_516, %swap3A_517] {strides = array<i32>} : memref<4x128x64xf32, #tpu.memory_space<vmem>>, vector<1x1x16xf32>,
      %swap3A_519 = vector.shape_cast %swap3A_518 : vector<1x1x16xf32> to vector<16xf32>
      %swap3A_520 = vector.shape_cast %mul3A_513 : vector<16xf32> to vector<1x1x16xf32>
      tpu.vector_store %arg7[%swap3A_515, %swap3A_516, %swap3A_517], %swap3A_520 {strides = array<i32>} : memref<4x128x64xf32, #tpu.memory_space<vmem>>, vector<1x1x16xf32>,
    }
    %scan3A_290 = arith.constant 128 : i32
    %add3A_291 = arith.constant 25216 : i32
    %add3A_292 = arith.addi %mul3A_2, %add3A_291 : i32
    %dma_start3A_293 = arith.constant 1 : i32
    %dma_start3A_294 = arith.constant 0 : i32
    %dma_start3A_295 = arith.constant 0 : i32
    %dma_start3A_296 = tpu.memref_slice %arg7[%dma_start3A_293, %dma_start3A_294, %dma_start3A_295] : memref<4x128x64xf32, #tpu.memory_space<vmem>> -> memref<1x128x64xf32, #tpu.memory_space<vmem>>
    %dma_start3A_297 = tpu.memref_squeeze %dma_start3A_296 : memref<1x128x64xf32, #tpu.memory_space<vmem>> -> memref<128x64xf32, #tpu.memory_space<vmem>>
    %dma_start3A_298 = arith.constant 0 : i32
    %dma_start3A_299 = tpu.memref_slice %arg4[%add3A_292, %dma_start3A_298] : memref<819200x128xf32, #tpu.memory_space<hbm>> -> memref<128x64xf32, #tpu.memory_space<hbm>>
    %dma_start3A_300 = arith.constant 0 : i32
    %dma_start3A_301 = tpu.memref_slice %arg4[%add3A_292, %dma_start3A_300] : memref<819200x128xf32, #tpu.memory_space<hbm>> -> memref<128x64xf32, #tpu.memory_space<hbm>>
    %dma_start3A_302 = arith.constant 0 : i32
    %dma_start3A_303 = arith.constant 0 : i32
    %dma_start3A_304 = tpu.memref_slice %arg7[%dma_start3A_293, %dma_start3A_302, %dma_start3A_303] : memref<4x128x64xf32, #tpu.memory_space<vmem>> -> memref<1x128x64xf32, #tpu.memory_space<vmem>>
    %dma_start3A_305 = tpu.memref_squeeze %dma_start3A_304 : memref<1x128x64xf32, #tpu.memory_space<vmem>> -> memref<128x64xf32, #tpu.memory_space<vmem>>
    tpu.enqueue_dma source(%dma_start3A_305 : memref<128x64xf32, #tpu.memory_space<vmem>>) target(%dma_start3A_301 : memref<128x64xf32, #tpu.memory_space<hbm>>) target_semaphore(%arg14 : memref<!tpu.dma_semaphore, #tpu.memory_space<semaphore_mem>>)
    %dma_wait3A_306 = arith.constant 2 : i32
    %dma_wait3A_307 = arith.constant 0 : i32
    %dma_wait3A_308 = arith.constant 0 : i32
    %dma_wait3A_309 = tpu.memref_slice %arg6[%dma_wait3A_306, %dma_wait3A_307, %dma_wait3A_308] : memref<4x128x64xf32, #tpu.memory_space<vmem>> -> memref<1x128x64xf32, #tpu.memory_space<vmem>>
    %dma_wait3A_310 = tpu.memref_squeeze %dma_wait3A_309 : memref<1x128x64xf32, #tpu.memory_space<vmem>> -> memref<128x64xf32, #tpu.memory_space<vmem>>
    %dma_wait3A_311 = arith.constant 0 : i32
    %dma_wait3A_312 = tpu.memref_slice %arg5[%dma_wait3A_311] : memref<25600xi32, #tpu.memory_space<vmem>> -> memref<128xi32, #tpu.memory_space<vmem>>
    %dma_wait3A_313 = arith.constant 0 : i32
    %dma_wait3A_314 = arith.constant 0 : i32
    %dma_wait3A_315 = tpu.memref_slice %arg3[%dma_wait3A_313, %dma_wait3A_314] : memref<1000000x64xf32, #tpu.memory_space<hbm>> -> memref<1000000x64xf32, #tpu.memory_space<hbm>>
    tpu.wait_indirect_dma semaphore(%arg11 : memref<!tpu.dma_semaphore, #tpu.memory_space<semaphore_mem>>) src(%dma_wait3A_315 : memref<1000000x64xf32, #tpu.memory_space<hbm>>) dst(%dma_wait3A_310 : memref<128x64xf32, #tpu.memory_space<vmem>>)
    %add3A_316 = arith.constant 25344 : i32
    %add3A_317 = arith.addi %mul3A_2, %add3A_316 : i32
    %dma_wait3A_318 = arith.constant 2 : i32
    %dma_wait3A_319 = arith.constant 0 : i32
    %dma_wait3A_320 = arith.constant 0 : i32
    %dma_wait3A_321 = tpu.memref_slice %arg7[%dma_wait3A_318, %dma_wait3A_319, %dma_wait3A_320] : memref<4x128x64xf32, #tpu.memory_space<vmem>> -> memref<1x128x64xf32, #tpu.memory_space<vmem>>
    %dma_wait3A_322 = tpu.memref_squeeze %dma_wait3A_321 : memref<1x128x64xf32, #tpu.memory_space<vmem>> -> memref<128x64xf32, #tpu.memory_space<vmem>>
    %dma_wait3A_323 = arith.constant 0 : i32
    %dma_wait3A_324 = tpu.memref_slice %arg4[%add3A_317, %dma_wait3A_323] : memref<819200x128xf32, #tpu.memory_space<hbm>> -> memref<128x64xf32, #tpu.memory_space<hbm>>
    %dma_wait3A_325 = arith.constant 0 : i32
    %dma_wait3A_326 = tpu.memref_slice %arg4[%add3A_317, %dma_wait3A_325] : memref<819200x128xf32, #tpu.memory_space<hbm>> -> memref<128x64xf32, #tpu.memory_space<hbm>>
    %dma_wait3A_327 = arith.constant 0 : i32
    %dma_wait3A_328 = arith.constant 0 : i32
    %dma_wait3A_329 = tpu.memref_slice %arg7[%dma_wait3A_318, %dma_wait3A_327, %dma_wait3A_328] : memref<4x128x64xf32, #tpu.memory_space<vmem>> -> memref<1x128x64xf32, #tpu.memory_space<vmem>>
    %dma_wait3A_330 = tpu.memref_squeeze %dma_wait3A_329 : memref<1x128x64xf32, #tpu.memory_space<vmem>> -> memref<128x64xf32, #tpu.memory_space<vmem>>
    tpu.wait_dma2 semaphore(%arg15 : memref<!tpu.dma_semaphore, #tpu.memory_space<semaphore_mem>>) src(%dma_wait3A_330 : memref<128x64xf32, #tpu.memory_space<vmem>>) dst(%dma_wait3A_326 : memref<128x64xf32, #tpu.memory_space<hbm>>)
    %scan3A_331 = arith.constant 0 : i32
    %scan3A_332 = arith.constant 0 : i32
    %scan3A_333 = arith.constant 128 : i32
    %scan3A_334 = arith.addi %scan3A_332, %scan3A_333 : i32
    %scan3A_335 = arith.constant 1 : i32
    scf.for %scan3A_458 = %scan3A_332 to %scan3A_334 step %scan3A_335  : i32 {
      %get3A = arith.constant 2 : i32
      %get3A_459 = arith.index_cast %get3A : i32 to index
      %get3A_460 = arith.index_cast %scan3A_458 : i32 to index
      %get3A_461 = arith.constant 0 : index
      %get3A_462 = tpu.vector_load %arg6[%get3A_459, %get3A_460, %get3A_461] {strides = array<i32>} : memref<4x128x64xf32, #tpu.memory_space<vmem>>, vector<1x1x16xf32>,
      %get3A_463 = vector.shape_cast %get3A_462 : vector<1x1x16xf32> to vector<16xf32>
      %mul3A_464 = arith.constant 8.000000e+00 : f32
      %mul3A_465 = vector.broadcast %mul3A_464 : f32 to vector<16xf32>
      %mul3A_466 = arith.mulf %get3A_463, %mul3A_465 : vector<16xf32>
      %swap3A = arith.constant 2 : i32
      %swap3A_467 = arith.index_cast %swap3A : i32 to index
      %swap3A_468 = arith.index_cast %scan3A_458 : i32 to index
      %swap3A_469 = arith.constant 0 : index
      %swap3A_470 = tpu.vector_load %arg7[%swap3A_467, %swap3A_468, %swap3A_469] {strides = array<i32>} : memref<4x128x64xf32, #tpu.memory_space<vmem>>, vector<1x1x16xf32>,
      %swap3A_471 = vector.shape_cast %swap3A_470 : vector<1x1x16xf32> to vector<16xf32>
      %swap3A_472 = vector.shape_cast %mul3A_466 : vector<16xf32> to vector<1x1x16xf32>
      tpu.vector_store %arg7[%swap3A_467, %swap3A_468, %swap3A_469], %swap3A_472 {strides = array<i32>} : memref<4x128x64xf32, #tpu.memory_space<vmem>>, vector<1x1x16xf32>,
      %get3A_473 = arith.constant 2 : i32
      %get3A_474 = arith.index_cast %get3A_473 : i32 to index
      %get3A_475 = arith.index_cast %scan3A_458 : i32 to index
      %get3A_476 = arith.constant 16 : index
      %get3A_477 = tpu.vector_load %arg6[%get3A_474, %get3A_475, %get3A_476] {strides = array<i32>} : memref<4x128x64xf32, #tpu.memory_space<vmem>>, vector<1x1x16xf32>,
      %get3A_478 = vector.shape_cast %get3A_477 : vector<1x1x16xf32> to vector<16xf32>
      %mul3A_479 = arith.constant 8.000000e+00 : f32
      %mul3A_480 = vector.broadcast %mul3A_479 : f32 to vector<16xf32>
      %mul3A_481 = arith.mulf %get3A_478, %mul3A_480 : vector<16xf32>
      %swap3A_482 = arith.constant 2 : i32
      %swap3A_483 = arith.index_cast %swap3A_482 : i32 to index
      %swap3A_484 = arith.index_cast %scan3A_458 : i32 to index
      %swap3A_485 = arith.constant 16 : index
      %swap3A_486 = tpu.vector_load %arg7[%swap3A_483, %swap3A_484, %swap3A_485] {strides = array<i32>} : memref<4x128x64xf32, #tpu.memory_space<vmem>>, vector<1x1x16xf32>,
      %swap3A_487 = vector.shape_cast %swap3A_486 : vector<1x1x16xf32> to vector<16xf32>
      %swap3A_488 = vector.shape_cast %mul3A_481 : vector<16xf32> to vector<1x1x16xf32>
      tpu.vector_store %arg7[%swap3A_483, %swap3A_484, %swap3A_485], %swap3A_488 {strides = array<i32>} : memref<4x128x64xf32, #tpu.memory_space<vmem>>, vector<1x1x16xf32>,
      %get3A_489 = arith.constant 2 : i32
      %get3A_490 = arith.index_cast %get3A_489 : i32 to index
      %get3A_491 = arith.index_cast %scan3A_458 : i32 to index
      %get3A_492 = arith.constant 32 : index
      %get3A_493 = tpu.vector_load %arg6[%get3A_490, %get3A_491, %get3A_492] {strides = array<i32>} : memref<4x128x64xf32, #tpu.memory_space<vmem>>, vector<1x1x16xf32>,
      %get3A_494 = vector.shape_cast %get3A_493 : vector<1x1x16xf32> to vector<16xf32>
      %mul3A_495 = arith.constant 8.000000e+00 : f32
      %mul3A_496 = vector.broadcast %mul3A_495 : f32 to vector<16xf32>
      %mul3A_497 = arith.mulf %get3A_494, %mul3A_496 : vector<16xf32>
      %swap3A_498 = arith.constant 2 : i32
      %swap3A_499 = arith.index_cast %swap3A_498 : i32 to index
      %swap3A_500 = arith.index_cast %scan3A_458 : i32 to index
      %swap3A_501 = arith.constant 32 : index
      %swap3A_502 = tpu.vector_load %arg7[%swap3A_499, %swap3A_500, %swap3A_501] {strides = array<i32>} : memref<4x128x64xf32, #tpu.memory_space<vmem>>, vector<1x1x16xf32>,
      %swap3A_503 = vector.shape_cast %swap3A_502 : vector<1x1x16xf32> to vector<16xf32>
      %swap3A_504 = vector.shape_cast %mul3A_497 : vector<16xf32> to vector<1x1x16xf32>
      tpu.vector_store %arg7[%swap3A_499, %swap3A_500, %swap3A_501], %swap3A_504 {strides = array<i32>} : memref<4x128x64xf32, #tpu.memory_space<vmem>>, vector<1x1x16xf32>,
      %get3A_505 = arith.constant 2 : i32
      %get3A_506 = arith.index_cast %get3A_505 : i32 to index
      %get3A_507 = arith.index_cast %scan3A_458 : i32 to index
      %get3A_508 = arith.constant 48 : index
      %get3A_509 = tpu.vector_load %arg6[%get3A_506, %get3A_507, %get3A_508] {strides = array<i32>} : memref<4x128x64xf32, #tpu.memory_space<vmem>>, vector<1x1x16xf32>,
      %get3A_510 = vector.shape_cast %get3A_509 : vector<1x1x16xf32> to vector<16xf32>
      %mul3A_511 = arith.constant 8.000000e+00 : f32
      %mul3A_512 = vector.broadcast %mul3A_511 : f32 to vector<16xf32>
      %mul3A_513 = arith.mulf %get3A_510, %mul3A_512 : vector<16xf32>
      %swap3A_514 = arith.constant 2 : i32
      %swap3A_515 = arith.index_cast %swap3A_514 : i32 to index
      %swap3A_516 = arith.index_cast %scan3A_458 : i32 to index
      %swap3A_517 = arith.constant 48 : index
      %swap3A_518 = tpu.vector_load %arg7[%swap3A_515, %swap3A_516, %swap3A_517] {strides = array<i32>} : memref<4x128x64xf32, #tpu.memory_space<vmem>>, vector<1x1x16xf32>,
      %swap3A_519 = vector.shape_cast %swap3A_518 : vector<1x1x16xf32> to vector<16xf32>
      %swap3A_520 = vector.shape_cast %mul3A_513 : vector<16xf32> to vector<1x1x16xf32>
      tpu.vector_store %arg7[%swap3A_515, %swap3A_516, %swap3A_517], %swap3A_520 {strides = array<i32>} : memref<4x128x64xf32, #tpu.memory_space<vmem>>, vector<1x1x16xf32>,
    }
    %scan3A_336 = arith.constant 128 : i32
    %add3A_337 = arith.constant 25344 : i32
    %add3A_338 = arith.addi %mul3A_2, %add3A_337 : i32
    %dma_start3A_339 = arith.constant 2 : i32
    %dma_start3A_340 = arith.constant 0 : i32
    %dma_start3A_341 = arith.constant 0 : i32
    %dma_start3A_342 = tpu.memref_slice %arg7[%dma_start3A_339, %dma_start3A_340, %dma_start3A_341] : memref<4x128x64xf32, #tpu.memory_space<vmem>> -> memref<1x128x64xf32, #tpu.memory_space<vmem>>
    %dma_start3A_343 = tpu.memref_squeeze %dma_start3A_342 : memref<1x128x64xf32, #tpu.memory_space<vmem>> -> memref<128x64xf32, #tpu.memory_space<vmem>>
    %dma_start3A_344 = arith.constant 0 : i32
    %dma_start3A_345 = tpu.memref_slice %arg4[%add3A_338, %dma_start3A_344] : memref<819200x128xf32, #tpu.memory_space<hbm>> -> memref<128x64xf32, #tpu.memory_space<hbm>>
    %dma_start3A_346 = arith.constant 0 : i32
    %dma_start3A_347 = tpu.memref_slice %arg4[%add3A_338, %dma_start3A_346] : memref<819200x128xf32, #tpu.memory_space<hbm>> -> memref<128x64xf32, #tpu.memory_space<hbm>>
    %dma_start3A_348 = arith.constant 0 : i32
    %dma_start3A_349 = arith.constant 0 : i32
    %dma_start3A_350 = tpu.memref_slice %arg7[%dma_start3A_339, %dma_start3A_348, %dma_start3A_349] : memref<4x128x64xf32, #tpu.memory_space<vmem>> -> memref<1x128x64xf32, #tpu.memory_space<vmem>>
    %dma_start3A_351 = tpu.memref_squeeze %dma_start3A_350 : memref<1x128x64xf32, #tpu.memory_space<vmem>> -> memref<128x64xf32, #tpu.memory_space<vmem>>
    tpu.enqueue_dma source(%dma_start3A_351 : memref<128x64xf32, #tpu.memory_space<vmem>>) target(%dma_start3A_347 : memref<128x64xf32, #tpu.memory_space<hbm>>) target_semaphore(%arg15 : memref<!tpu.dma_semaphore, #tpu.memory_space<semaphore_mem>>)
    %dma_wait3A_352 = arith.constant 3 : i32
    %dma_wait3A_353 = arith.constant 0 : i32
    %dma_wait3A_354 = arith.constant 0 : i32
    %dma_wait3A_355 = tpu.memref_slice %arg6[%dma_wait3A_352, %dma_wait3A_353, %dma_wait3A_354] : memref<4x128x64xf32, #tpu.memory_space<vmem>> -> memref<1x128x64xf32, #tpu.memory_space<vmem>>
    %dma_wait3A_356 = tpu.memref_squeeze %dma_wait3A_355 : memref<1x128x64xf32, #tpu.memory_space<vmem>> -> memref<128x64xf32, #tpu.memory_space<vmem>>
    %dma_wait3A_357 = arith.constant 0 : i32
    %dma_wait3A_358 = tpu.memref_slice %arg5[%dma_wait3A_357] : memref<25600xi32, #tpu.memory_space<vmem>> -> memref<128xi32, #tpu.memory_space<vmem>>
    %dma_wait3A_359 = arith.constant 0 : i32
    %dma_wait3A_360 = arith.constant 0 : i32
    %dma_wait3A_361 = tpu.memref_slice %arg3[%dma_wait3A_359, %dma_wait3A_360] : memref<1000000x64xf32, #tpu.memory_space<hbm>> -> memref<1000000x64xf32, #tpu.memory_space<hbm>>
    tpu.wait_indirect_dma semaphore(%arg12 : memref<!tpu.dma_semaphore, #tpu.memory_space<semaphore_mem>>) src(%dma_wait3A_361 : memref<1000000x64xf32, #tpu.memory_space<hbm>>) dst(%dma_wait3A_356 : memref<128x64xf32, #tpu.memory_space<vmem>>)
    %add3A_362 = arith.constant 25472 : i32
    %add3A_363 = arith.addi %mul3A_2, %add3A_362 : i32
    %dma_wait3A_364 = arith.constant 3 : i32
    %dma_wait3A_365 = arith.constant 0 : i32
    %dma_wait3A_366 = arith.constant 0 : i32
    %dma_wait3A_367 = tpu.memref_slice %arg7[%dma_wait3A_364, %dma_wait3A_365, %dma_wait3A_366] : memref<4x128x64xf32, #tpu.memory_space<vmem>> -> memref<1x128x64xf32, #tpu.memory_space<vmem>>
    %dma_wait3A_368 = tpu.memref_squeeze %dma_wait3A_367 : memref<1x128x64xf32, #tpu.memory_space<vmem>> -> memref<128x64xf32, #tpu.memory_space<vmem>>
    %dma_wait3A_369 = arith.constant 0 : i32
    %dma_wait3A_370 = tpu.memref_slice %arg4[%add3A_363, %dma_wait3A_369] : memref<819200x128xf32, #tpu.memory_space<hbm>> -> memref<128x64xf32, #tpu.memory_space<hbm>>
    %dma_wait3A_371 = arith.constant 0 : i32
    %dma_wait3A_372 = tpu.memref_slice %arg4[%add3A_363, %dma_wait3A_371] : memref<819200x128xf32, #tpu.memory_space<hbm>> -> memref<128x64xf32, #tpu.memory_space<hbm>>
    %dma_wait3A_373 = arith.constant 0 : i32
    %dma_wait3A_374 = arith.constant 0 : i32
    %dma_wait3A_375 = tpu.memref_slice %arg7[%dma_wait3A_364, %dma_wait3A_373, %dma_wait3A_374] : memref<4x128x64xf32, #tpu.memory_space<vmem>> -> memref<1x128x64xf32, #tpu.memory_space<vmem>>
    %dma_wait3A_376 = tpu.memref_squeeze %dma_wait3A_375 : memref<1x128x64xf32, #tpu.memory_space<vmem>> -> memref<128x64xf32, #tpu.memory_space<vmem>>
    tpu.wait_dma2 semaphore(%arg16 : memref<!tpu.dma_semaphore, #tpu.memory_space<semaphore_mem>>) src(%dma_wait3A_376 : memref<128x64xf32, #tpu.memory_space<vmem>>) dst(%dma_wait3A_372 : memref<128x64xf32, #tpu.memory_space<hbm>>)
    %scan3A_377 = arith.constant 0 : i32
    %scan3A_378 = arith.constant 0 : i32
    %scan3A_379 = arith.constant 128 : i32
    %scan3A_380 = arith.addi %scan3A_378, %scan3A_379 : i32
    %scan3A_381 = arith.constant 1 : i32
    scf.for %scan3A_458 = %scan3A_378 to %scan3A_380 step %scan3A_381  : i32 {
      %get3A = arith.constant 3 : i32
      %get3A_459 = arith.index_cast %get3A : i32 to index
      %get3A_460 = arith.index_cast %scan3A_458 : i32 to index
      %get3A_461 = arith.constant 0 : index
      %get3A_462 = tpu.vector_load %arg6[%get3A_459, %get3A_460, %get3A_461] {strides = array<i32>} : memref<4x128x64xf32, #tpu.memory_space<vmem>>, vector<1x1x16xf32>,
      %get3A_463 = vector.shape_cast %get3A_462 : vector<1x1x16xf32> to vector<16xf32>
      %mul3A_464 = arith.constant 8.000000e+00 : f32
      %mul3A_465 = vector.broadcast %mul3A_464 : f32 to vector<16xf32>
      %mul3A_466 = arith.mulf %get3A_463, %mul3A_465 : vector<16xf32>
      %swap3A = arith.constant 3 : i32
      %swap3A_467 = arith.index_cast %swap3A : i32 to index
      %swap3A_468 = arith.index_cast %scan3A_458 : i32 to index
      %swap3A_469 = arith.constant 0 : index
      %swap3A_470 = tpu.vector_load %arg7[%swap3A_467, %swap3A_468, %swap3A_469] {strides = array<i32>} : memref<4x128x64xf32, #tpu.memory_space<vmem>>, vector<1x1x16xf32>,
      %swap3A_471 = vector.shape_cast %swap3A_470 : vector<1x1x16xf32> to vector<16xf32>
      %swap3A_472 = vector.shape_cast %mul3A_466 : vector<16xf32> to vector<1x1x16xf32>
      tpu.vector_store %arg7[%swap3A_467, %swap3A_468, %swap3A_469], %swap3A_472 {strides = array<i32>} : memref<4x128x64xf32, #tpu.memory_space<vmem>>, vector<1x1x16xf32>,
      %get3A_473 = arith.constant 3 : i32
      %get3A_474 = arith.index_cast %get3A_473 : i32 to index
      %get3A_475 = arith.index_cast %scan3A_458 : i32 to index
      %get3A_476 = arith.constant 16 : index
      %get3A_477 = tpu.vector_load %arg6[%get3A_474, %get3A_475, %get3A_476] {strides = array<i32>} : memref<4x128x64xf32, #tpu.memory_space<vmem>>, vector<1x1x16xf32>,
      %get3A_478 = vector.shape_cast %get3A_477 : vector<1x1x16xf32> to vector<16xf32>
      %mul3A_479 = arith.constant 8.000000e+00 : f32
      %mul3A_480 = vector.broadcast %mul3A_479 : f32 to vector<16xf32>
      %mul3A_481 = arith.mulf %get3A_478, %mul3A_480 : vector<16xf32>
      %swap3A_482 = arith.constant 3 : i32
      %swap3A_483 = arith.index_cast %swap3A_482 : i32 to index
      %swap3A_484 = arith.index_cast %scan3A_458 : i32 to index
      %swap3A_485 = arith.constant 16 : index
      %swap3A_486 = tpu.vector_load %arg7[%swap3A_483, %swap3A_484, %swap3A_485] {strides = array<i32>} : memref<4x128x64xf32, #tpu.memory_space<vmem>>, vector<1x1x16xf32>,
      %swap3A_487 = vector.shape_cast %swap3A_486 : vector<1x1x16xf32> to vector<16xf32>
      %swap3A_488 = vector.shape_cast %mul3A_481 : vector<16xf32> to vector<1x1x16xf32>
      tpu.vector_store %arg7[%swap3A_483, %swap3A_484, %swap3A_485], %swap3A_488 {strides = array<i32>} : memref<4x128x64xf32, #tpu.memory_space<vmem>>, vector<1x1x16xf32>,
      %get3A_489 = arith.constant 3 : i32
      %get3A_490 = arith.index_cast %get3A_489 : i32 to index
      %get3A_491 = arith.index_cast %scan3A_458 : i32 to index
      %get3A_492 = arith.constant 32 : index
      %get3A_493 = tpu.vector_load %arg6[%get3A_490, %get3A_491, %get3A_492] {strides = array<i32>} : memref<4x128x64xf32, #tpu.memory_space<vmem>>, vector<1x1x16xf32>,
      %get3A_494 = vector.shape_cast %get3A_493 : vector<1x1x16xf32> to vector<16xf32>
      %mul3A_495 = arith.constant 8.000000e+00 : f32
      %mul3A_496 = vector.broadcast %mul3A_495 : f32 to vector<16xf32>
      %mul3A_497 = arith.mulf %get3A_494, %mul3A_496 : vector<16xf32>
      %swap3A_498 = arith.constant 3 : i32
      %swap3A_499 = arith.index_cast %swap3A_498 : i32 to index
      %swap3A_500 = arith.index_cast %scan3A_458 : i32 to index
      %swap3A_501 = arith.constant 32 : index
      %swap3A_502 = tpu.vector_load %arg7[%swap3A_499, %swap3A_500, %swap3A_501] {strides = array<i32>} : memref<4x128x64xf32, #tpu.memory_space<vmem>>, vector<1x1x16xf32>,
      %swap3A_503 = vector.shape_cast %swap3A_502 : vector<1x1x16xf32> to vector<16xf32>
      %swap3A_504 = vector.shape_cast %mul3A_497 : vector<16xf32> to vector<1x1x16xf32>
      tpu.vector_store %arg7[%swap3A_499, %swap3A_500, %swap3A_501], %swap3A_504 {strides = array<i32>} : memref<4x128x64xf32, #tpu.memory_space<vmem>>, vector<1x1x16xf32>,
      %get3A_505 = arith.constant 3 : i32
      %get3A_506 = arith.index_cast %get3A_505 : i32 to index
      %get3A_507 = arith.index_cast %scan3A_458 : i32 to index
      %get3A_508 = arith.constant 48 : index
      %get3A_509 = tpu.vector_load %arg6[%get3A_506, %get3A_507, %get3A_508] {strides = array<i32>} : memref<4x128x64xf32, #tpu.memory_space<vmem>>, vector<1x1x16xf32>,
      %get3A_510 = vector.shape_cast %get3A_509 : vector<1x1x16xf32> to vector<16xf32>
      %mul3A_511 = arith.constant 8.000000e+00 : f32
      %mul3A_512 = vector.broadcast %mul3A_511 : f32 to vector<16xf32>
      %mul3A_513 = arith.mulf %get3A_510, %mul3A_512 : vector<16xf32>
      %swap3A_514 = arith.constant 3 : i32
      %swap3A_515 = arith.index_cast %swap3A_514 : i32 to index
      %swap3A_516 = arith.index_cast %scan3A_458 : i32 to index
      %swap3A_517 = arith.constant 48 : index
      %swap3A_518 = tpu.vector_load %arg7[%swap3A_515, %swap3A_516, %swap3A_517] {strides = array<i32>} : memref<4x128x64xf32, #tpu.memory_space<vmem>>, vector<1x1x16xf32>,
      %swap3A_519 = vector.shape_cast %swap3A_518 : vector<1x1x16xf32> to vector<16xf32>
      %swap3A_520 = vector.shape_cast %mul3A_513 : vector<16xf32> to vector<1x1x16xf32>
      tpu.vector_store %arg7[%swap3A_515, %swap3A_516, %swap3A_517], %swap3A_520 {strides = array<i32>} : memref<4x128x64xf32, #tpu.memory_space<vmem>>, vector<1x1x16xf32>,
    }
    %scan3A_382 = arith.constant 128 : i32
    %add3A_383 = arith.constant 25472 : i32
    %add3A_384 = arith.addi %mul3A_2, %add3A_383 : i32
    %dma_start3A_385 = arith.constant 3 : i32
    %dma_start3A_386 = arith.constant 0 : i32
    %dma_start3A_387 = arith.constant 0 : i32
    %dma_start3A_388 = tpu.memref_slice %arg7[%dma_start3A_385, %dma_start3A_386, %dma_start3A_387] : memref<4x128x64xf32, #tpu.memory_space<vmem>> -> memref<1x128x64xf32, #tpu.memory_space<vmem>>
    %dma_start3A_389 = tpu.memref_squeeze %dma_start3A_388 : memref<1x128x64xf32, #tpu.memory_space<vmem>> -> memref<128x64xf32, #tpu.memory_space<vmem>>
    %dma_start3A_390 = arith.constant 0 : i32
    %dma_start3A_391 = tpu.memref_slice %arg4[%add3A_384, %dma_start3A_390] : memref<819200x128xf32, #tpu.memory_space<hbm>> -> memref<128x64xf32, #tpu.memory_space<hbm>>
    %dma_start3A_392 = arith.constant 0 : i32
    %dma_start3A_393 = tpu.memref_slice %arg4[%add3A_384, %dma_start3A_392] : memref<819200x128xf32, #tpu.memory_space<hbm>> -> memref<128x64xf32, #tpu.memory_space<hbm>>
    %dma_start3A_394 = arith.constant 0 : i32
    %dma_start3A_395 = arith.constant 0 : i32
    %dma_start3A_396 = tpu.memref_slice %arg7[%dma_start3A_385, %dma_start3A_394, %dma_start3A_395] : memref<4x128x64xf32, #tpu.memory_space<vmem>> -> memref<1x128x64xf32, #tpu.memory_space<vmem>>
    %dma_start3A_397 = tpu.memref_squeeze %dma_start3A_396 : memref<1x128x64xf32, #tpu.memory_space<vmem>> -> memref<128x64xf32, #tpu.memory_space<vmem>>
    tpu.enqueue_dma source(%dma_start3A_397 : memref<128x64xf32, #tpu.memory_space<vmem>>) target(%dma_start3A_393 : memref<128x64xf32, #tpu.memory_space<hbm>>) target_semaphore(%arg16 : memref<!tpu.dma_semaphore, #tpu.memory_space<semaphore_mem>>)
    %add3A_398 = arith.constant 25088 : i32
    %add3A_399 = arith.addi %mul3A_2, %add3A_398 : i32
    %dma_wait3A_400 = arith.constant 0 : i32
    %dma_wait3A_401 = arith.constant 0 : i32
    %dma_wait3A_402 = arith.constant 0 : i32
    %dma_wait3A_403 = tpu.memref_slice %arg7[%dma_wait3A_400, %dma_wait3A_401, %dma_wait3A_402] : memref<4x128x64xf32, #tpu.memory_space<vmem>> -> memref<1x128x64xf32, #tpu.memory_space<vmem>>
    %dma_wait3A_404 = tpu.memref_squeeze %dma_wait3A_403 : memref<1x128x64xf32, #tpu.memory_space<vmem>> -> memref<128x64xf32, #tpu.memory_space<vmem>>
    %dma_wait3A_405 = arith.constant 0 : i32
    %dma_wait3A_406 = tpu.memref_slice %arg4[%add3A_399, %dma_wait3A_405] : memref<819200x128xf32, #tpu.memory_space<hbm>> -> memref<128x64xf32, #tpu.memory_space<hbm>>
    %dma_wait3A_407 = arith.constant 0 : i32
    %dma_wait3A_408 = tpu.memref_slice %arg4[%add3A_399, %dma_wait3A_407] : memref<819200x128xf32, #tpu.memory_space<hbm>> -> memref<128x64xf32, #tpu.memory_space<hbm>>
    %dma_wait3A_409 = arith.constant 0 : i32
    %dma_wait3A_410 = arith.constant 0 : i32
    %dma_wait3A_411 = tpu.memref_slice %arg7[%dma_wait3A_400, %dma_wait3A_409, %dma_wait3A_410] : memref<4x128x64xf32, #tpu.memory_space<vmem>> -> memref<1x128x64xf32, #tpu.memory_space<vmem>>
    %dma_wait3A_412 = tpu.memref_squeeze %dma_wait3A_411 : memref<1x128x64xf32, #tpu.memory_space<vmem>> -> memref<128x64xf32, #tpu.memory_space<vmem>>
    tpu.wait_dma2 semaphore(%arg13 : memref<!tpu.dma_semaphore, #tpu.memory_space<semaphore_mem>>) src(%dma_wait3A_412 : memref<128x64xf32, #tpu.memory_space<vmem>>) dst(%dma_wait3A_408 : memref<128x64xf32, #tpu.memory_space<hbm>>)
    %add3A_413 = arith.constant 25216 : i32
    %add3A_414 = arith.addi %mul3A_2, %add3A_413 : i32
    %dma_wait3A_415 = arith.constant 1 : i32
    %dma_wait3A_416 = arith.constant 0 : i32
    %dma_wait3A_417 = arith.constant 0 : i32
    %dma_wait3A_418 = tpu.memref_slice %arg7[%dma_wait3A_415, %dma_wait3A_416, %dma_wait3A_417] : memref<4x128x64xf32, #tpu.memory_space<vmem>> -> memref<1x128x64xf32, #tpu.memory_space<vmem>>
    %dma_wait3A_419 = tpu.memref_squeeze %dma_wait3A_418 : memref<1x128x64xf32, #tpu.memory_space<vmem>> -> memref<128x64xf32, #tpu.memory_space<vmem>>
    %dma_wait3A_420 = arith.constant 0 : i32
    %dma_wait3A_421 = tpu.memref_slice %arg4[%add3A_414, %dma_wait3A_420] : memref<819200x128xf32, #tpu.memory_space<hbm>> -> memref<128x64xf32, #tpu.memory_space<hbm>>
    %dma_wait3A_422 = arith.constant 0 : i32
    %dma_wait3A_423 = tpu.memref_slice %arg4[%add3A_414, %dma_wait3A_422] : memref<819200x128xf32, #tpu.memory_space<hbm>> -> memref<128x64xf32, #tpu.memory_space<hbm>>
    %dma_wait3A_424 = arith.constant 0 : i32
    %dma_wait3A_425 = arith.constant 0 : i32
    %dma_wait3A_426 = tpu.memref_slice %arg7[%dma_wait3A_415, %dma_wait3A_424, %dma_wait3A_425] : memref<4x128x64xf32, #tpu.memory_space<vmem>> -> memref<1x128x64xf32, #tpu.memory_space<vmem>>
    %dma_wait3A_427 = tpu.memref_squeeze %dma_wait3A_426 : memref<1x128x64xf32, #tpu.memory_space<vmem>> -> memref<128x64xf32, #tpu.memory_space<vmem>>
    tpu.wait_dma2 semaphore(%arg14 : memref<!tpu.dma_semaphore, #tpu.memory_space<semaphore_mem>>) src(%dma_wait3A_427 : memref<128x64xf32, #tpu.memory_space<vmem>>) dst(%dma_wait3A_423 : memref<128x64xf32, #tpu.memory_space<hbm>>)
    %add3A_428 = arith.constant 25344 : i32
    %add3A_429 = arith.addi %mul3A_2, %add3A_428 : i32
    %dma_wait3A_430 = arith.constant 2 : i32
    %dma_wait3A_431 = arith.constant 0 : i32
    %dma_wait3A_432 = arith.constant 0 : i32
    %dma_wait3A_433 = tpu.memref_slice %arg7[%dma_wait3A_430, %dma_wait3A_431, %dma_wait3A_432] : memref<4x128x64xf32, #tpu.memory_space<vmem>> -> memref<1x128x64xf32, #tpu.memory_space<vmem>>
    %dma_wait3A_434 = tpu.memref_squeeze %dma_wait3A_433 : memref<1x128x64xf32, #tpu.memory_space<vmem>> -> memref<128x64xf32, #tpu.memory_space<vmem>>
    %dma_wait3A_435 = arith.constant 0 : i32
    %dma_wait3A_436 = tpu.memref_slice %arg4[%add3A_429, %dma_wait3A_435] : memref<819200x128xf32, #tpu.memory_space<hbm>> -> memref<128x64xf32, #tpu.memory_space<hbm>>
    %dma_wait3A_437 = arith.constant 0 : i32
    %dma_wait3A_438 = tpu.memref_slice %arg4[%add3A_429, %dma_wait3A_437] : memref<819200x128xf32, #tpu.memory_space<hbm>> -> memref<128x64xf32, #tpu.memory_space<hbm>>
    %dma_wait3A_439 = arith.constant 0 : i32
    %dma_wait3A_440 = arith.constant 0 : i32
    %dma_wait3A_441 = tpu.memref_slice %arg7[%dma_wait3A_430, %dma_wait3A_439, %dma_wait3A_440] : memref<4x128x64xf32, #tpu.memory_space<vmem>> -> memref<1x128x64xf32, #tpu.memory_space<vmem>>
    %dma_wait3A_442 = tpu.memref_squeeze %dma_wait3A_441 : memref<1x128x64xf32, #tpu.memory_space<vmem>> -> memref<128x64xf32, #tpu.memory_space<vmem>>
    tpu.wait_dma2 semaphore(%arg15 : memref<!tpu.dma_semaphore, #tpu.memory_space<semaphore_mem>>) src(%dma_wait3A_442 : memref<128x64xf32, #tpu.memory_space<vmem>>) dst(%dma_wait3A_438 : memref<128x64xf32, #tpu.memory_space<hbm>>)
    %add3A_443 = arith.constant 25472 : i32
    %add3A_444 = arith.addi %mul3A_2, %add3A_443 : i32
    %dma_wait3A_445 = arith.constant 3 : i32
    %dma_wait3A_446 = arith.constant 0 : i32
    %dma_wait3A_447 = arith.constant 0 : i32
    %dma_wait3A_448 = tpu.memref_slice %arg7[%dma_wait3A_445, %dma_wait3A_446, %dma_wait3A_447] : memref<4x128x64xf32, #tpu.memory_space<vmem>> -> memref<1x128x64xf32, #tpu.memory_space<vmem>>
    %dma_wait3A_449 = tpu.memref_squeeze %dma_wait3A_448 : memref<1x128x64xf32, #tpu.memory_space<vmem>> -> memref<128x64xf32, #tpu.memory_space<vmem>>
    %dma_wait3A_450 = arith.constant 0 : i32
    %dma_wait3A_451 = tpu.memref_slice %arg4[%add3A_444, %dma_wait3A_450] : memref<819200x128xf32, #tpu.memory_space<hbm>> -> memref<128x64xf32, #tpu.memory_space<hbm>>
    %dma_wait3A_452 = arith.constant 0 : i32
    %dma_wait3A_453 = tpu.memref_slice %arg4[%add3A_444, %dma_wait3A_452] : memref<819200x128xf32, #tpu.memory_space<hbm>> -> memref<128x64xf32, #tpu.memory_space<hbm>>
    %dma_wait3A_454 = arith.constant 0 : i32
    %dma_wait3A_455 = arith.constant 0 : i32
    %dma_wait3A_456 = tpu.memref_slice %arg7[%dma_wait3A_445, %dma_wait3A_454, %dma_wait3A_455] : memref<4x128x64xf32, #tpu.memory_space<vmem>> -> memref<1x128x64xf32, #tpu.memory_space<vmem>>
    %dma_wait3A_457 = tpu.memref_squeeze %dma_wait3A_456 : memref<1x128x64xf32, #tpu.memory_space<vmem>> -> memref<128x64xf32, #tpu.memory_space<vmem>>
    tpu.wait_dma2 semaphore(%arg16 : memref<!tpu.dma_semaphore, #tpu.memory_space<semaphore_mem>>) src(%dma_wait3A_457 : memref<128x64xf32, #tpu.memory_space<vmem>>) dst(%dma_wait3A_453 : memref<128x64xf32, #tpu.memory_space<hbm>>)
    return
  }
}

</mosaic_0001>

<sc_bundles>
// kernel: kernel.3.cloned.1.call-start
scs
__scs_entry_jumppad:
0x0: {  	(pc) =	sbr.rel $0x88, $3  }
0x1: {  	(tag) =	ssettag $0x0;
	lr =	simm.s32 $0x1  }
0x2: {  	[smem:$0x3F9F] =	sst lr;
	_ =	strace $0xD0000000  }
0x3: {  	_ = 	snop  }
0x4: {  	_ = 	snop  }
0x5: {  	_ = 	snop  }
0x6: {  	_ = 	snop  }
0x7: {  	_ = 	snop  }
__scs_overlays_trampoline_lowered:
0x8: {  	[smem:$0x3FAE] =	sst s0  }
0x9: {  	[smem:$0x3FAF] =	sst s1  }
0xa: {  	[smem:$0x3FB0] =	sst s2  }
0xb: {  	[smem:$0x3FB1] =	sst s3  }
0xc: {  	[smem:$0x3FB2] =	sst s4  }
0xd: {  	[smem:$0x3FB3] =	sst s5  }
0xe: {  	[smem:$0x3FB4] =	sst s6  }
0xf: {  	[smem:$0x3FB5] =	sst s7  }
0x10: {  	[smem:$0x3FB6] =	sst s8  }
0x11: {  	[smem:$0x3FB7] =	sst s9;
	s0 =	simm.s32 @!p0 $0x0  }
0x12: {  	s1 =	sld [smem:$0x3F9D];
	s0 =	simm.s32 @p0 $0x1  }
0x13: {  	[smem:$0x3FB8] =	sst s0;
	s0 =	simm.s32 @!p1 $0x0  }
0x14: {  	s2 =	sld [smem:$0x3F9C];
	s0 =	simm.s32 @p1 $0x1  }
0x15: {  	[smem:$0x3FB9] =	sst s0;
	s0 =	simm.s32 @!p2 $0x0  }
0x16: {  	s3 =	sld [smem:$0x3FDB];
	s0 =	simm.s32 @p2 $0x1  }
0x17: {  	s4 =	simm.s32 $0x1BF5;
	[smem:$0x3FBB] =	sst s0  }
0x18: {  	s0 =	sld [smem:$0x3F9E];
	_ =	swait.ge [sflag:s4], $0x0  }
0x19: {  	s7 =	sld [smem:$0x3F9F]  }
0x1a: {  	s8 =	sadd.s32 $0xFFFFE003, lr  }
0x1b: {  	s9 =	sadd.s32 $0xFFFFFEF7, lr;
	s5 =	simm.s32 $0xFFFFFFFF;
	p2 =	slt.u32 s8, $0xFFFFF086  }
0x1c: {  	p1 =	slt.u32 s9, $0xF7A;
	s5 =	simm.s32 @!p2 $0x0  }
0x1d: {  	s5 =	simm.s32 @p1 $0x1;
	p0 =	seq.s32 s7, s2  }
0x1e: {  	s7 =	smul.u32 @!p0 $0xF7A, s2;
	p2 =	seq.s32 @!p0 s5, $0x0  }
0x1f: {  	s9 =	smul.u32 $0xF7A, s1;
	s8 =	simm.s32 @!p0 $0x1BF5;
	p2 =	por !p2, p0  }
0x20: {  	[sflag:s8] =	ssyncset.s32 @!p0 $0xFFFFF086;
	s6 =	sadd.s32 @!p0 s3, s7;
	s7 =	simm.s32 @!p0 $0x108  }
0x21: {  	s3 =	sadd.s32 s3, s9;
	s6 =	sadd.s32 @!p0 $0x88, s6;
	s7 =	simm.s32 @p2 $0x1082  }
0x22: {  	[simem:s7], [sflag:s8] =	dma.local @!p0 [hbm:s6], $0xF7A  }
0x23: {  	s9 =	sor.u32 $0xD0000000, s2;
	s6 =	simm.s32 $0x108;
	_ =	swait.ge @!p0 [sflag:s8], $0x0  }
0x24: {  	s3 =	sadd.s32 $0x88, s3;
	s6 =	simm.s32 @!p1 $0x1082;
	[sflag:s4] =	ssyncset.s32 $0xFFFFF086  }
0x25: {  	[simem:s6], [sflag:s4] =	dma.local [hbm:s3], $0xF7A  }
0x26: {  	[smem:$0x3F9F] =	sst s1;
	(tag) =	ssettag s2;
	_ =	strace s9  }
0x27: {  	s1 =	sld [smem:$0x3FAF]  }
0x28: {  	s2 =	sld [smem:$0x3FB0]  }
0x29: {  	s4 =	sld [smem:$0x3FB2]  }
0x2a: {  	p0 =	seq.s32 s5, $0x0;
	s5 =	sld [smem:$0x3FB3]  }
0x2b: {  	s6 =	sld [smem:$0x3FB4]  }
0x2c: {  	s7 =	sld [smem:$0x3FB5]  }
0x2d: {  	s3 =	simm.s32 $0x108;
	s8 =	sld [smem:$0x3FB6]  }
0x2e: {  	s3 =	simm.s32 @!p0 $0x1082;
	s9 =	sld [smem:$0x3FB7]  }
0x2f: {  	lr =	sadd.s32 s0, s3;
	s0 =	sld [smem:$0x3FAE]  }
0x30: {  	s3 =	sld [smem:$0x3FB1]  }
0x31: {  	[smem:$0x3FBA] =	sst s10  }
0x32: {  	s10 =	sld [smem:$0x3FB8];
	_ =	sdelay $0x3  }
0x33: {  	p0 =	seq.s32 s10, $0x1;
	s10 =	sld [smem:$0x3FBA];
	_ =	sdelay $0x3  }
0x34: {  	[smem:$0x3FBA] =	sst s10  }
0x35: {  	s10 =	sld [smem:$0x3FB9];
	_ =	sdelay $0x3  }
0x36: {  	p1 =	seq.s32 s10, $0x1;
	s10 =	sld [smem:$0x3FBA];
	_ =	sdelay $0x3  }
0x37: {  	[smem:$0x3FBA] =	sst s10  }
0x38: {  	s10 =	sld [smem:$0x3FBB]  }
0x39: {  	_ = 	snop;
	(pc) =	sbr.ind lr, $3  }
0x3a: {  	_ = 	snop  }
0x3b: {  	_ = 	snop  }
0x3c: {  	p2 =	seq.s32 s10, $0x1;
	s10 =	sld [smem:$0x3FBA]  }
0x3d: {  	_ =	shalt  }
0x3e: {  	_ =	shalt  }
0x3f: {  	_ =	shalt  }
0x40: {  	_ =	shalt  }
0x41: {  	_ =	shalt  }
0x42: {  	_ =	shalt  }
0x43: {  	_ =	shalt  }
0x44: {  	_ =	shalt  }
0x45: {  	_ =	shalt  }
0x46: {  	_ =	shalt  }
0x47: {  	_ =	shalt  }
0x48: {  	_ =	shalt  }
0x49: {  	_ =	shalt  }
0x4a: {  	_ =	shalt  }
0x4b: {  	_ =	shalt  }
0x4c: {  	_ =	shalt  }
0x4d: {  	_ =	shalt  }
0x4e: {  	_ =	shalt  }
0x4f: {  	_ =	shalt  }
0x50: {  	_ =	shalt  }
0x51: {  	_ =	shalt  }
0x52: {  	_ =	shalt  }
0x53: {  	_ =	shalt  }
0x54: {  	_ =	shalt  }
0x55: {  	_ =	shalt  }
0x56: {  	_ =	shalt  }
0x57: {  	_ =	shalt  }
0x58: {  	_ =	shalt  }
0x59: {  	_ =	shalt  }
0x5a: {  	_ =	shalt  }
0x5b: {  	_ =	shalt  }
0x5c: {  	_ =	shalt  }
0x5d: {  	_ =	shalt  }
0x5e: {  	_ =	shalt  }
0x5f: {  	_ =	shalt  }
0x60: {  	_ =	shalt  }
0x61: {  	_ =	shalt  }
0x62: {  	_ =	shalt  }
0x63: {  	_ =	shalt  }
0x64: {  	_ =	shalt  }
0x65: {  	_ =	shalt  }
0x66: {  	_ =	shalt  }
0x67: {  	_ =	shalt  }
0x68: {  	_ =	shalt  }
0x69: {  	_ =	shalt  }
0x6a: {  	_ =	shalt  }
0x6b: {  	_ =	shalt  }
0x6c: {  	_ =	shalt  }
0x6d: {  	_ =	shalt  }
0x6e: {  	_ =	shalt  }
0x6f: {  	_ =	shalt  }
0x70: {  	_ =	shalt  }
0x71: {  	_ =	shalt  }
0x72: {  	_ =	shalt  }
0x73: {  	_ =	shalt  }
0x74: {  	_ =	shalt  }
0x75: {  	_ =	shalt  }
0x76: {  	_ =	shalt  }
0x77: {  	_ =	shalt  }
0x78: {  	_ =	shalt  }
0x79: {  	_ =	shalt  }
0x7a: {  	_ =	shalt  }
0x7b: {  	_ =	shalt  }
0x7c: {  	_ =	shalt  }
0x7d: {  	_ =	shalt  }
0x7e: {  	_ =	shalt  }
0x7f: {  	_ =	shalt  }
0x80: {  	_ =	shalt  }
0x81: {  	_ =	shalt  }
0x82: {  	_ =	shalt  }
0x83: {  	_ =	shalt  }
0x84: {  	_ =	shalt  }
0x85: {  	_ =	shalt  }
0x86: {  	_ =	shalt  }
0x87: {  	_ =	shalt  }
.Lfunc_end0:
.L_simem_size_0:
called_computation.1_lowered:
.L_overlay_start_0:
0x88: {  	s2 =	sld [smem:$0x3FD9]  }
0x89: {  	s3 =	sld [smem:$0x3FFE];
	_ =	sdelay $0x1  }
0x8a: {  	s1 =	srdreg.scid  }
0x8b: {  	s0 =	sand.u32 $0x1, s1  }
0x8c: {  	s17 =	sshll.u32 s0, $0xA;
	s2 =	sadd.s32 s3, s2  }
0x8d: {  	s2 =	sadd.s32 s2, s17  }
0x8e: {  	[smem:$0x3FC6] =	sst s2  }
0x8f: {  	_ = 	snop  }
0x90: {  	s2 =	sld [smem:$0x3FD0];
	(tm) =	ssettm $0x1  }
0x91: {  	s18 =	sld [smem:$0x3FFB];
	_ =	sdelay $0x3  }
0x92: {  	_ =	strace s18  }
0x93: {  	s3 =	sld [smem:$0x3FFC];
	_ =	sdelay $0x3  }
0x94: {  	_ =	strace s3  }
0x95: {  	s3 =	sld [smem:$0x3FFD];
	_ =	sdelay $0x3  }
0x96: {  	_ =	strace s3  }
0x97: {  	_ =	strace $0x8FFFFFFF  }
0x98: {  	s19 =	sld [smem:$0x3FDB];
	_ =	sdelay $0x1  }
0x99: {  	s4 =	simm.s32 $_scs_section_size  }
0x9a: {  	s5 =	simm.s32 $_size__tile_overlayer_lowered;
	s6 =	simm.s32 $_tile_overlayer_lowered  }
0x9b: {  	s22 =	simm.s32 $0x1BFF;
	s21 =	sshll.u32 s6, $0x1;
	s3 =	sadd.s32 s4, s19  }
0x9c: {  	s7 =	simm.s32 $0x0;
	s20 =	sshll.u32 s5, $0x1;
	s5 =	sadd.s32 s21, s3  }
0x9d: {  	[timem:s7], [sflag:s22] =	dma.local [hbm:s5], s20  }
0x9e: {  	_ =	swait.ge [sflag:s22], s20  }
0x9f: {  	s4 =	ssub.s32 $0x0, s20;
	[sflag:s22] =	ssyncset.done $0x0  }
0xa0: {  	[sflag:s22] =	ssyncadd.s32 s4;
	_ =	sdelay $0x1  }
0xa1: {  	s23 =	simm.s32 $0x1B8B  }
0xa2: {  	_ =	swait.ge [sflag:s23], $0x1  }
0xa3: {  	[sflag:s23] =	ssyncset.done $0x0  }
0xa4: {  	s25 =	simm.s32 $0x1B8E;
	s24 =	sld [smem:$0x3FFE];
	[sflag:s23] =	ssyncadd.s32 $0xFFFFFFFF  }
0xa5: {  	s26 =	simm.s32 $execute0_lowered;
	[smem:$0x3FD2] =	sst s25  }
0xa6: {  	s5 =	sshll.u32 s26, $0x1;
	_ =	strace $0x80000046;
	[dreg:$0x1] =	wrdreg $0xFFFFFFFF  }
0xa7: {  	s28 =	simm.s32 $_size_execute0_lowered;
	s3 =	sadd.s32 s3, s5;
	[dreg:$0x0] =	wrdreg $0x0  }
0xa8: {  	s5 =	sshll.u32 s28, $0x1;
	[dreg:$0x2] =	wrdreg s3  }
0xa9: {  	[dreg:$0x3] =	wrdreg s5  }
0xaa: {  	[dreg:$0x4] =	wrdreg $0xC0  }
0xab: {  	_ =	task [dreg:s7], $0x5FFFF  }
0xac: {  	[dreg:$0x1] =	wrdreg $0xFFFFFFFF  }
0xad: {  	[dreg:$0x0] =	wrdreg $0x60  }
0xae: {  	[dreg:$0x2] =	wrdreg s2  }
0xaf: {  	[dreg:$0x3] =	wrdreg s24  }
0xb0: {  	[dreg:$0x4] =	wrdreg $0x9  }
0xb1: {  	_ =	task.clear_ibuf [dreg:s7], $0x5FFFF;
	_ =	strace $0x90000046  }
0xb2: {  	s29 =	simm.s32 $0x9;
	_ =	strace $0x80000048  }
0xb3: {  	_ =	swait.ge [sflag:s29], $0x1  }
0xb4: {  	[sflag:s29] =	ssyncadd.s32 $0xFFFFFFFF  }
0xb5: {  	_ =	strace $0x90000048  }
0xb6: {  	_ =	sfence  }
0xb7: {  	s30 =	sld [smem:$0x0];
	_ =	sdelay $0x2  }
0xb8: {  	s31 =	sshll.u32 s1, $0xD;
	s1 =	sshrl.u32 s1, $0x2  }
0xb9: {  	s3 =	sand.u32 $0x4000, s31;
	s1 =	sadd.s32 s1, s30  }
0xba: {  	s0 =	sor.u32 s3, s0;
	s1 =	sshll.u32 s1, $0x11  }
0xbb: {  	s0 =	sor.u32 s1, s0  }
0xbc: {  	s0 =	sadd.s32 $0x8F2B, s0  }
0xbd: {  	[sflag:s0] =	ssyncadd.remote.s32 $0x1  }
0xbe: {  	_ =	sfence.sel $0xFFFF  }
0xbf: {  	[dreg:$0x0] =	wrdreg $0xFFFFFFFF;
	(pc) =	sbr.abs _section_cstart, $3  }
0xc0: {  	[dreg:$0x1] =	wrdreg $0xFFFFFFFF  }
0xc1: {  	_ =	task.clear_ibuf [dreg:s7], $0x2FFFF;
	_ =	strace $0x9FFFFFFF  }
0xc2: {  	(tm) =	ssettm $0x7FFFFFFF  }
0xc3: {  	_ =	shalt  }
tec
execute0_lowered:
.L_overlay_start_1:
0x0: {  	(tag) =	ssettag $0x1  }
0x1: {  	s0 =	rddreg [dreg:$0x0];
	s1 =	srdreg.scid  }
0x2: {  	s3 =	stileid.u32;
	s2 =	rddreg [dreg:$0x1]  }
0x3: {  	s4 =	simm.s32 $0x0;
	s28 =	simm.s32 $0x2;
	s29 =	simm.s32 $0x40  }
0x4: {  	s30 =	simm.s32 $0xE400;
	s1 =	sand.u32 $0x1, s1;
	s3 =	sshll.u32 s3, $0x1  }
0x5: {  	s31 =	simm.s32 $0x12400;
	s9 =	simm.s32 $0x9;
	s5 =	sor.u32 s1, s3  }
0x6: {  	s14 =	simm.s32 $0x0;
	[smem:$0x7FF] =	sst s4;
	s6 =	smul.u32 $0x6400, s5  }
0x7: {  	s4 =	sadd.s32 $0xA00, s2;
	s1 =	ssub.s32 $0x2, s1;
	s7 =	smul.u32 $0x64000, s5  }
0x8: {  	_ =	strace $0x80000047;
	s18 =	sshrl.u32 s1, $0x1;
	s5 =	smul.u32 $0x320000, s5  }
0x9: {  	s3 =	sadd.s32 $0xF42E00, s2;
	s2 =	simm.s32 $0x14400;
	s1 =	ssub.s32 s1, s18  }
0xa: {  	s8 =	sshrl.u32 s6, $0x3;
	s7 =	sadd.s32 s4, s7;
	s22 =	sshrl.u32 s5, $0x3  }
0xb: {  	s10 =	sor.u32 $0x200, s6;
	s11 =	sor.u32 $0x280, s6;
	s12 =	sor.u32 $0x300, s6  }
0xc: {  	s13 =	sor.u32 $0x380, s6;
	s26 =	smax.u32 s1, $0x1;
	[dreg:$0x3] =	wrdreg s7  }
0xd: {  	s1 =	simm.s32 $0x3;
	s0 =	sadd.s32 s0, s8;
	[dreg:$0xc] =	wrdreg s26  }
0xe: {  	s6 =	simm.s32 $0x6;
	s19 =	sadd.s32 $0x800, s7;
	[dreg:$0x4] =	wrdreg s0  }
0xf: {  	s20 =	sadd.s32 $0x1000, s7;
	s21 =	sadd.s32 $0x1800, s7;
	[dreg:$0x5] =	wrdreg s19  }
0x10: {  	s26 =	simm.s32 $0xC400;
	[dreg:$0x6] =	wrdreg s20;
	s0 =	sadd.s32 s4, s22  }
0x11: {  	s7 =	simm.s32 $0x7;
	[dreg:$0x7] =	wrdreg s21;
	s23 =	sadd.s32 $0x62000, s0  }
0x12: {  	s8 =	simm.s32 $0x8;
	s24 =	sadd.s32 $0x62800, s0;
	[dreg:$0x8] =	wrdreg s23  }
0x13: {  	s20 =	simm.s32 $0x80;
	s25 =	sadd.s32 $0x63000, s0;
	[dreg:$0x9] =	wrdreg s24  }
0x14: {  	s21 =	simm.s32 $0x6400;
	s0 =	sadd.s32 $0x63800, s0;
	[dreg:$0xa] =	wrdreg s25  }
0x15: {  	s22 =	simm.s32 $0x8400;
	[dreg:$0xb] =	wrdreg s0;
	s24 =	simm.s32 $0xA400  }
0x16: {  	s0 =	simm.s32 $0x10400;
	s25 =	simm.s32 $0x4;
	s23 =	simm.s32 $0x5  }
.LBB2_1:
0x17: {  	[dreg:$0xd] =	wrdreg s14  }
0x18: {  	s5 =	simm.s32 $0x0;
	s16 =	rddreg [dreg:$0x4];
	s17 =	simm.s32 $0x1  }
0x19: {  	[tilespmem:s5], [sflag:$0x1] =	stream.linear.gather [hbm4b:s16+s5], $0x6400, $0x38;
	[tilespmem:$0x16400] =	vst v63  }
0x1a: {  	_ =	swait.ge [sflag:s17], $0x6400  }
0x1b: {  	[sflag:s17] =	ssyncset.done $0x0  }
0x1c: {  	[sflag:s17] =	ssyncadd.s32 $0xFFFF9C00  }
0x1d: {  	[tilespmem:s21], [sflag:$0x2] =	stream.indirect.gather [hbm4b:s3+s20], $0x40, s5, s20, $0xb8;
	[tilespmem:$0x16400] =	vst v63  }
0x1e: {  	_ = 	snop  }
0x1f: {  	[tilespmem:s22], [sflag:$0x3] =	stream.indirect.gather [hbm4b:s3+s20], $0x40, s20, s20, $0xb8;
	[tilespmem:$0x16400] =	vst v63  }
0x20: {  	s18 =	simm.s32 $0x100  }
0x21: {  	[tilespmem:s24], [sflag:$0x4] =	stream.indirect.gather [hbm4b:s3+s20], $0x40, s18, s20, $0xb8;
	[tilespmem:$0x16400] =	vst v63  }
0x22: {  	s19 =	simm.s32 $0x180  }
0x23: {  	[tilespmem:s26], [sflag:$0x5] =	stream.indirect.gather [hbm4b:s3+s20], $0x40, s19, s20, $0xb8;
	[tilespmem:$0x16400] =	vst v63  }
0x24: {  	_ =	swait.ge [sflag:s28], $0x2000  }
0x25: {  	[sflag:s28] =	ssyncset.done $0x0  }
0x26: {  	s15 =	simm.s32 $0x0;
	[sflag:s28] =	ssyncadd.s32 $0xFFFFE000  }
0x27: {  	v1 =	vld [tilespmem:s15+$0x6430]  }
0x28: {  	v2 =	vld [tilespmem:s15+$0x6400]  }
0x29: {  	v3 =	vld [tilespmem:s15+$0x6410]  }
0x2a: {  	v0 =	vld [tilespmem:s15+$0x6420]  }
0x2b: {  	s5 =	simm.s32 $0x100  }
.LBB2_2:
0x2c: {  	s16 =	sshra.s32 s5, $0x2;
	p0 =	sne.s32 s5, $0x7F00;
	s5 =	sadd.s32 $0x100, s5;
	v4 =	vmul.f32 $8.000000000e+00, v1  }
.Ltmp0:
0x2d: {  	v1 =	vld [tilespmem:s16+$0x6430];
	v5 =	vmul.f32 $8.000000000e+00, v2;
	(pc) =	sbr.rel @p0 .LBB2_2-.Ltmp0, $4  }
0x2e: {  	v2 =	vld [tilespmem:s16+$0x6400];
	v6 =	vmul.f32 $8.000000000e+00, v3;
	[tilespmem:s15+$0xE430] =	vst v4  }
0x2f: {  	v3 =	vld [tilespmem:s16+$0x6410];
	[tilespmem:s15+$0xE400] =	vst v5;
	v4 =	vmul.f32 $8.000000000e+00, v0  }
0x30: {  	v0 =	vld [tilespmem:s16+$0x6420];
	[tilespmem:s15+$0xE410] =	vst v6  }
0x31: {  	[tilespmem:s15+$0xE420] =	vst v4;
	s15 =	smov.u32 s16  }
0x32: {  	v1 =	vmul.f32 $8.000000000e+00, v1  }
0x33: {  	v2 =	vmul.f32 $8.000000000e+00, v2  }
0x34: {  	v3 =	vmul.f32 $8.000000000e+00, v3;
	[tilespmem:s15+$0xE430] =	vst v1  }
0x35: {  	[tilespmem:s15+$0xE400] =	vst v2;
	v0 =	vmul.f32 $8.000000000e+00, v0  }
0x36: {  	[tilespmem:s15+$0xE410] =	vst v3  }
0x37: {  	s5 =	rddreg [dreg:$0x3];
	[tilespmem:s15+$0xE420] =	vst v0  }
0x38: {  	[hbm4b:s5+s29] =	stream.strided.scatter [tilespmem:s30], [sflag:$0x6], $0x2000, s20, s29, $0x38;
	[tilespmem:$0x16400] =	vst v63  }
0x39: {  	s19 =	simm.s32 $0x200  }
0x3a: {  	[tilespmem:s21], [sflag:$0x2] =	stream.indirect.gather [hbm4b:s3+s20], $0x40, s19, s20, $0xb8;
	[tilespmem:$0x16400] =	vst v63  }
0x3b: {  	_ =	swait.ge [sflag:s1], $0x2000  }
0x3c: {  	[sflag:s1] =	ssyncset.done $0x0  }
0x3d: {  	s15 =	simm.s32 $0x0;
	[sflag:s1] =	ssyncadd.s32 $0xFFFFE000  }
0x3e: {  	v1 =	vld [tilespmem:s15+$0x8430]  }
0x3f: {  	v2 =	vld [tilespmem:s15+$0x8400]  }
0x40: {  	v3 =	vld [tilespmem:s15+$0x8410]  }
0x41: {  	v0 =	vld [tilespmem:s15+$0x8420]  }
0x42: {  	s5 =	simm.s32 $0x100  }
.LBB2_4:
0x43: {  	s16 =	sshra.s32 s5, $0x2;
	p0 =	sne.s32 s5, $0x7F00;
	s5 =	sadd.s32 $0x100, s5;
	v4 =	vmul.f32 $8.000000000e+00, v1  }
.Ltmp1:
0x44: {  	v1 =	vld [tilespmem:s16+$0x8430];
	v5 =	vmul.f32 $8.000000000e+00, v2;
	(pc) =	sbr.rel @p0 .LBB2_4-.Ltmp1, $4  }
0x45: {  	v2 =	vld [tilespmem:s16+$0x8400];
	v6 =	vmul.f32 $8.000000000e+00, v3;
	[tilespmem:s15+$0x10430] =	vst v4  }
0x46: {  	v3 =	vld [tilespmem:s16+$0x8410];
	[tilespmem:s15+$0x10400] =	vst v5;
	v4 =	vmul.f32 $8.000000000e+00, v0  }
0x47: {  	v0 =	vld [tilespmem:s16+$0x8420];
	[tilespmem:s15+$0x10410] =	vst v6  }
0x48: {  	[tilespmem:s15+$0x10420] =	vst v4;
	s15 =	smov.u32 s16  }
0x49: {  	v1 =	vmul.f32 $8.000000000e+00, v1  }
0x4a: {  	v2 =	vmul.f32 $8.000000000e+00, v2  }
0x4b: {  	v3 =	vmul.f32 $8.000000000e+00, v3;
	[tilespmem:s15+$0x10430] =	vst v1  }
0x4c: {  	[tilespmem:s15+$0x10400] =	vst v2;
	v0 =	vmul.f32 $8.000000000e+00, v0  }
0x4d: {  	[tilespmem:s15+$0x10410] =	vst v3  }
0x4e: {  	s5 =	rddreg [dreg:$0x5];
	[tilespmem:s15+$0x10420] =	vst v0  }
0x4f: {  	[hbm4b:s5+s29] =	stream.strided.scatter [tilespmem:s0], [sflag:$0x7], $0x2000, s20, s29, $0x38;
	[tilespmem:$0x16400] =	vst v63  }
0x50: {  	s19 =	simm.s32 $0x280  }
0x51: {  	[tilespmem:s22], [sflag:$0x3] =	stream.indirect.gather [hbm4b:s3+s20], $0x40, s19, s20, $0xb8;
	[tilespmem:$0x16400] =	vst v63  }
0x52: {  	_ =	swait.ge [sflag:s25], $0x2000  }
0x53: {  	[sflag:s25] =	ssyncset.done $0x0  }
0x54: {  	s15 =	simm.s32 $0x0;
	[sflag:s25] =	ssyncadd.s32 $0xFFFFE000  }
0x55: {  	v1 =	vld [tilespmem:s15+$0xA430]  }
0x56: {  	v2 =	vld [tilespmem:s15+$0xA400]  }
0x57: {  	v3 =	vld [tilespmem:s15+$0xA410]  }
0x58: {  	v0 =	vld [tilespmem:s15+$0xA420]  }
0x59: {  	s5 =	simm.s32 $0x100  }
.LBB2_6:
0x5a: {  	s16 =	sshra.s32 s5, $0x2;
	p0 =	sne.s32 s5, $0x7F00;
	s5 =	sadd.s32 $0x100, s5;
	v4 =	vmul.f32 $8.000000000e+00, v1  }
.Ltmp2:
0x5b: {  	v1 =	vld [tilespmem:s16+$0xA430];
	v5 =	vmul.f32 $8.000000000e+00, v2;
	(pc) =	sbr.rel @p0 .LBB2_6-.Ltmp2, $4  }
0x5c: {  	v2 =	vld [tilespmem:s16+$0xA400];
	v6 =	vmul.f32 $8.000000000e+00, v3;
	[tilespmem:s15+$0x12430] =	vst v4  }
0x5d: {  	v3 =	vld [tilespmem:s16+$0xA410];
	[tilespmem:s15+$0x12400] =	vst v5;
	v4 =	vmul.f32 $8.000000000e+00, v0  }
0x5e: {  	v0 =	vld [tilespmem:s16+$0xA420];
	[tilespmem:s15+$0x12410] =	vst v6  }
0x5f: {  	[tilespmem:s15+$0x12420] =	vst v4;
	s15 =	smov.u32 s16  }
0x60: {  	v1 =	vmul.f32 $8.000000000e+00, v1  }
0x61: {  	v2 =	vmul.f32 $8.000000000e+00, v2  }
0x62: {  	v3 =	vmul.f32 $8.000000000e+00, v3;
	[tilespmem:s15+$0x12430] =	vst v1  }
0x63: {  	[tilespmem:s15+$0x12400] =	vst v2;
	v0 =	vmul.f32 $8.000000000e+00, v0  }
0x64: {  	[tilespmem:s15+$0x12410] =	vst v3  }
0x65: {  	s5 =	rddreg [dreg:$0x6];
	[tilespmem:s15+$0x12420] =	vst v0  }
0x66: {  	[hbm4b:s5+s29] =	stream.strided.scatter [tilespmem:s31], [sflag:$0x8], $0x2000, s20, s29, $0x38;
	[tilespmem:$0x16400] =	vst v63  }
0x67: {  	s19 =	simm.s32 $0x300  }
0x68: {  	[tilespmem:s24], [sflag:$0x4] =	stream.indirect.gather [hbm4b:s3+s20], $0x40, s19, s20, $0xb8;
	[tilespmem:$0x16400] =	vst v63  }
0x69: {  	_ =	swait.ge [sflag:s23], $0x2000  }
0x6a: {  	[sflag:s23] =	ssyncset.done $0x0  }
0x6b: {  	s15 =	simm.s32 $0x0;
	[sflag:s23] =	ssyncadd.s32 $0xFFFFE000  }
0x6c: {  	v1 =	vld [tilespmem:s15+$0xC430]  }
0x6d: {  	v2 =	vld [tilespmem:s15+$0xC400]  }
0x6e: {  	v3 =	vld [tilespmem:s15+$0xC410]  }
0x6f: {  	v0 =	vld [tilespmem:s15+$0xC420]  }
0x70: {  	s5 =	simm.s32 $0x100  }
.LBB2_8:
0x71: {  	s16 =	sshra.s32 s5, $0x2;
	p0 =	sne.s32 s5, $0x7F00;
	s5 =	sadd.s32 $0x100, s5;
	v4 =	vmul.f32 $8.000000000e+00, v1  }
.Ltmp3:
0x72: {  	v1 =	vld [tilespmem:s16+$0xC430];
	v5 =	vmul.f32 $8.000000000e+00, v2;
	(pc) =	sbr.rel @p0 .LBB2_8-.Ltmp3, $4  }
0x73: {  	v2 =	vld [tilespmem:s16+$0xC400];
	v6 =	vmul.f32 $8.000000000e+00, v3;
	[tilespmem:s15+$0x14430] =	vst v4  }
0x74: {  	v3 =	vld [tilespmem:s16+$0xC410];
	[tilespmem:s15+$0x14400] =	vst v5;
	v4 =	vmul.f32 $8.000000000e+00, v0  }
0x75: {  	v0 =	vld [tilespmem:s16+$0xC420];
	[tilespmem:s15+$0x14410] =	vst v6  }
0x76: {  	[tilespmem:s15+$0x14420] =	vst v4;
	s15 =	smov.u32 s16  }
0x77: {  	v1 =	vmul.f32 $8.000000000e+00, v1  }
0x78: {  	v2 =	vmul.f32 $8.000000000e+00, v2  }
0x79: {  	v3 =	vmul.f32 $8.000000000e+00, v3;
	[tilespmem:s15+$0x14430] =	vst v1  }
0x7a: {  	[tilespmem:s15+$0x14400] =	vst v2;
	v0 =	vmul.f32 $8.000000000e+00, v0  }
0x7b: {  	[tilespmem:s15+$0x14410] =	vst v3  }
0x7c: {  	s5 =	rddreg [dreg:$0x7];
	[tilespmem:s15+$0x14420] =	vst v0  }
0x7d: {  	[hbm4b:s5+s29] =	stream.strided.scatter [tilespmem:s2], [sflag:$0x9], $0x2000, s20, s29, $0x38;
	[tilespmem:$0x16400] =	vst v63  }
0x7e: {  	s19 =	simm.s32 $0x380;
	s15 =	simm.s32 $0x0  }
0x7f: {  	[tilespmem:s26], [sflag:$0x5] =	stream.indirect.gather [hbm4b:s3+s20], $0x40, s19, s20, $0xb8;
	[tilespmem:$0x16400] =	vst v63  }
.LBB2_10:
0x80: {  	_ =	swait.ge [sflag:s28], $0x2000  }
0x81: {  	[sflag:s28] =	ssyncset.done $0x0  }
0x82: {  	[sflag:s28] =	ssyncadd.s32 $0xFFFFE000  }
0x83: {  	_ =	swait.ge [sflag:s6], $0x2000  }
0x84: {  	[sflag:s6] =	ssyncset.done $0x0  }
0x85: {  	s17 =	simm.s32 $0x0;
	[sflag:s6] =	ssyncadd.s32 $0xFFFFE000  }
0x86: {  	s16 =	sshll.u32 s15, $0x9;
	v0 =	vld [tilespmem:s17+$0x6430]  }
0x87: {  	s5 =	sadd.s32 s16, s10;
	v1 =	vld [tilespmem:s17+$0x6400]  }
0x88: {  	s5 =	sshll.u32 s5, $0x4;
	v3 =	vld [tilespmem:s17+$0x6410]  }
0x89: {  	s5 =	sand.u32 $0x1FFFE000, s5;
	v2 =	vld [tilespmem:s17+$0x6420]  }
0x8a: {  	s18 =	sadd.s32 s4, s5;
	s5 =	simm.s32 $0x100  }
.LBB2_11:
0x8b: {  	s19 =	sshra.s32 s5, $0x2;
	p0 =	sne.s32 s5, $0x7F00;
	s5 =	sadd.s32 $0x100, s5;
	v4 =	vmul.f32 $8.000000000e+00, v0  }
.Ltmp4:
0x8c: {  	v0 =	vld [tilespmem:s19+$0x6430];
	v5 =	vmul.f32 $8.000000000e+00, v1;
	(pc) =	sbr.rel @p0 .LBB2_11-.Ltmp4, $4  }
0x8d: {  	v1 =	vld [tilespmem:s19+$0x6400];
	v6 =	vmul.f32 $8.000000000e+00, v3;
	[tilespmem:s17+$0xE430] =	vst v4  }
0x8e: {  	v3 =	vld [tilespmem:s19+$0x6410];
	[tilespmem:s17+$0xE400] =	vst v5;
	v4 =	vmul.f32 $8.000000000e+00, v2  }
0x8f: {  	v2 =	vld [tilespmem:s19+$0x6420];
	[tilespmem:s17+$0xE410] =	vst v6  }
0x90: {  	[tilespmem:s17+$0xE420] =	vst v4;
	s17 =	smov.u32 s19  }
0x91: {  	v0 =	vmul.f32 $8.000000000e+00, v0  }
0x92: {  	v1 =	vmul.f32 $8.000000000e+00, v1  }
0x93: {  	v3 =	vmul.f32 $8.000000000e+00, v3;
	[tilespmem:s17+$0xE430] =	vst v0  }
0x94: {  	[tilespmem:s17+$0xE400] =	vst v1;
	v0 =	vmul.f32 $8.000000000e+00, v2  }
0x95: {  	[tilespmem:s17+$0xE410] =	vst v3  }
0x96: {  	[tilespmem:s17+$0xE420] =	vst v0;
	s17 =	sand.u32 $0x3FFFFE00, s16  }
0x97: {  	[hbm4b:s18+s29] =	stream.strided.scatter [tilespmem:s30], [sflag:$0x6], $0x2000, s20, s29, $0x38;
	[tilespmem:$0x16400] =	vst v63  }
0x98: {  	s5 =	sadd.s32 $0x400, s17  }
0x99: {  	[tilespmem:s21], [sflag:$0x2] =	stream.indirect.gather [hbm4b:s3+s20], $0x40, s5, s20, $0xb8;
	[tilespmem:$0x16400] =	vst v63  }
0x9a: {  	_ =	swait.ge [sflag:s1], $0x2000  }
0x9b: {  	[sflag:s1] =	ssyncset.done $0x0  }
0x9c: {  	[sflag:s1] =	ssyncadd.s32 $0xFFFFE000  }
0x9d: {  	_ =	swait.ge [sflag:s7], $0x2000  }
0x9e: {  	[sflag:s7] =	ssyncset.done $0x0  }
0x9f: {  	s18 =	simm.s32 $0x0;
	[sflag:s7] =	ssyncadd.s32 $0xFFFFE000  }
0xa0: {  	v0 =	vld [tilespmem:s18+$0x8430]  }
0xa1: {  	s19 =	sadd.s32 s16, s11;
	v1 =	vld [tilespmem:s18+$0x8400]  }
0xa2: {  	s5 =	sshll.u32 s19, $0x4;
	v3 =	vld [tilespmem:s18+$0x8410]  }
0xa3: {  	s5 =	sand.u32 $0x1FFFE800, s5;
	v2 =	vld [tilespmem:s18+$0x8420]  }
0xa4: {  	s19 =	simm.s32 $0x100;
	s5 =	sadd.s32 s4, s5  }
.LBB2_13:
0xa5: {  	s14 =	sshra.s32 s19, $0x2;
	p0 =	sne.s32 s19, $0x7F00;
	s19 =	sadd.s32 $0x100, s19;
	v4 =	vmul.f32 $8.000000000e+00, v0  }
.Ltmp5:
0xa6: {  	v0 =	vld [tilespmem:s14+$0x8430];
	v5 =	vmul.f32 $8.000000000e+00, v1;
	(pc) =	sbr.rel @p0 .LBB2_13-.Ltmp5, $4  }
0xa7: {  	v1 =	vld [tilespmem:s14+$0x8400];
	v6 =	vmul.f32 $8.000000000e+00, v3;
	[tilespmem:s18+$0x10430] =	vst v4  }
0xa8: {  	v3 =	vld [tilespmem:s14+$0x8410];
	[tilespmem:s18+$0x10400] =	vst v5;
	v4 =	vmul.f32 $8.000000000e+00, v2  }
0xa9: {  	v2 =	vld [tilespmem:s14+$0x8420];
	[tilespmem:s18+$0x10410] =	vst v6  }
0xaa: {  	[tilespmem:s18+$0x10420] =	vst v4;
	s18 =	smov.u32 s14  }
0xab: {  	v0 =	vmul.f32 $8.000000000e+00, v0  }
0xac: {  	v1 =	vmul.f32 $8.000000000e+00, v1  }
0xad: {  	v3 =	vmul.f32 $8.000000000e+00, v3;
	[tilespmem:s18+$0x10430] =	vst v0  }
0xae: {  	[tilespmem:s18+$0x10400] =	vst v1;
	v0 =	vmul.f32 $8.000000000e+00, v2  }
0xaf: {  	[tilespmem:s18+$0x10410] =	vst v3  }
0xb0: {  	[tilespmem:s18+$0x10420] =	vst v0  }
0xb1: {  	[hbm4b:s5+s29] =	stream.strided.scatter [tilespmem:s0], [sflag:$0x7], $0x2000, s20, s29, $0x38;
	[tilespmem:$0x16400] =	vst v63  }
0xb2: {  	s18 =	sadd.s32 $0x480, s17  }
0xb3: {  	[tilespmem:s22], [sflag:$0x3] =	stream.indirect.gather [hbm4b:s3+s20], $0x40, s18, s20, $0xb8;
	[tilespmem:$0x16400] =	vst v63  }
0xb4: {  	_ =	swait.ge [sflag:s25], $0x2000  }
0xb5: {  	[sflag:s25] =	ssyncset.done $0x0  }
0xb6: {  	[sflag:s25] =	ssyncadd.s32 $0xFFFFE000  }
0xb7: {  	_ =	swait.ge [sflag:s8], $0x2000  }
0xb8: {  	[sflag:s8] =	ssyncset.done $0x0  }
0xb9: {  	s18 =	simm.s32 $0x0;
	[sflag:s8] =	ssyncadd.s32 $0xFFFFE000  }
0xba: {  	v0 =	vld [tilespmem:s18+$0xA430]  }
0xbb: {  	s19 =	sadd.s32 s16, s12;
	v1 =	vld [tilespmem:s18+$0xA400]  }
0xbc: {  	s5 =	sshll.u32 s19, $0x4;
	v3 =	vld [tilespmem:s18+$0xA410]  }
0xbd: {  	s5 =	sand.u32 $0x1FFFF000, s5;
	v2 =	vld [tilespmem:s18+$0xA420]  }
0xbe: {  	s19 =	simm.s32 $0x100;
	s5 =	sadd.s32 s4, s5  }
.LBB2_15:
0xbf: {  	s14 =	sshra.s32 s19, $0x2;
	p0 =	sne.s32 s19, $0x7F00;
	s19 =	sadd.s32 $0x100, s19;
	v4 =	vmul.f32 $8.000000000e+00, v0  }
.Ltmp6:
0xc0: {  	v0 =	vld [tilespmem:s14+$0xA430];
	v5 =	vmul.f32 $8.000000000e+00, v1;
	(pc) =	sbr.rel @p0 .LBB2_15-.Ltmp6, $4  }
0xc1: {  	v1 =	vld [tilespmem:s14+$0xA400];
	v6 =	vmul.f32 $8.000000000e+00, v3;
	[tilespmem:s18+$0x12430] =	vst v4  }
0xc2: {  	v3 =	vld [tilespmem:s14+$0xA410];
	[tilespmem:s18+$0x12400] =	vst v5;
	v4 =	vmul.f32 $8.000000000e+00, v2  }
0xc3: {  	v2 =	vld [tilespmem:s14+$0xA420];
	[tilespmem:s18+$0x12410] =	vst v6  }
0xc4: {  	[tilespmem:s18+$0x12420] =	vst v4;
	s18 =	smov.u32 s14  }
0xc5: {  	v0 =	vmul.f32 $8.000000000e+00, v0  }
0xc6: {  	v1 =	vmul.f32 $8.000000000e+00, v1  }
0xc7: {  	v3 =	vmul.f32 $8.000000000e+00, v3;
	[tilespmem:s18+$0x12430] =	vst v0  }
0xc8: {  	[tilespmem:s18+$0x12400] =	vst v1;
	v0 =	vmul.f32 $8.000000000e+00, v2  }
0xc9: {  	[tilespmem:s18+$0x12410] =	vst v3  }
0xca: {  	[tilespmem:s18+$0x12420] =	vst v0  }
0xcb: {  	[hbm4b:s5+s29] =	stream.strided.scatter [tilespmem:s31], [sflag:$0x8], $0x2000, s20, s29, $0x38;
	[tilespmem:$0x16400] =	vst v63  }
0xcc: {  	s18 =	sadd.s32 $0x500, s17  }
0xcd: {  	[tilespmem:s24], [sflag:$0x4] =	stream.indirect.gather [hbm4b:s3+s20], $0x40, s18, s20, $0xb8;
	[tilespmem:$0x16400] =	vst v63  }
0xce: {  	_ =	swait.ge [sflag:s23], $0x2000  }
0xcf: {  	[sflag:s23] =	ssyncset.done $0x0  }
0xd0: {  	[sflag:s23] =	ssyncadd.s32 $0xFFFFE000  }
0xd1: {  	_ =	swait.ge [sflag:s9], $0x2000  }
0xd2: {  	[sflag:s9] =	ssyncset.done $0x0  }
0xd3: {  	s18 =	simm.s32 $0x0;
	[sflag:s9] =	ssyncadd.s32 $0xFFFFE000  }
0xd4: {  	v0 =	vld [tilespmem:s18+$0xC430]  }
0xd5: {  	s19 =	sadd.s32 s16, s13;
	v1 =	vld [tilespmem:s18+$0xC400]  }
0xd6: {  	s5 =	sshll.u32 s19, $0x4;
	v3 =	vld [tilespmem:s18+$0xC410]  }
0xd7: {  	s5 =	sand.u32 $0x1FFFF800, s5;
	v2 =	vld [tilespmem:s18+$0xC420]  }
0xd8: {  	s16 =	simm.s32 $0x100;
	s5 =	sadd.s32 s4, s5  }
.LBB2_17:
0xd9: {  	s14 =	sshra.s32 s16, $0x2;
	p0 =	sne.s32 s16, $0x7F00;
	s16 =	sadd.s32 $0x100, s16;
	v4 =	vmul.f32 $8.000000000e+00, v0  }
.Ltmp7:
0xda: {  	v0 =	vld [tilespmem:s14+$0xC430];
	v5 =	vmul.f32 $8.000000000e+00, v1;
	(pc) =	sbr.rel @p0 .LBB2_17-.Ltmp7, $4  }
0xdb: {  	v1 =	vld [tilespmem:s14+$0xC400];
	v6 =	vmul.f32 $8.000000000e+00, v3;
	[tilespmem:s18+$0x14430] =	vst v4  }
0xdc: {  	v3 =	vld [tilespmem:s14+$0xC410];
	[tilespmem:s18+$0x14400] =	vst v5;
	v4 =	vmul.f32 $8.000000000e+00, v2  }
0xdd: {  	v2 =	vld [tilespmem:s14+$0xC420];
	[tilespmem:s18+$0x14410] =	vst v6  }
0xde: {  	[tilespmem:s18+$0x14420] =	vst v4;
	s18 =	smov.u32 s14  }
0xdf: {  	v0 =	vmul.f32 $8.000000000e+00, v0  }
0xe0: {  	v1 =	vmul.f32 $8.000000000e+00, v1  }
0xe1: {  	s15 =	sadd.s32 $0x1, s15;
	v3 =	vmul.f32 $8.000000000e+00, v3;
	[tilespmem:s18+$0x14430] =	vst v0  }
0xe2: {  	p0 =	sne.s32 s15, $0x30;
	[tilespmem:s18+$0x14400] =	vst v1;
	v63 =	vmul.f32 $8.000000000e+00, v2  }
.Ltmp8:
0xe3: {  	[tilespmem:s18+$0x14410] =	vst v3;
	(pc) =	sbr.rel @p0 .LBB2_10-.Ltmp8, $4  }
0xe4: {  	[tilespmem:s18+$0x14420] =	vst v63  }
0xe5: {  	[hbm4b:s5+s29] =	stream.strided.scatter [tilespmem:s2], [sflag:$0x9], $0x2000, s20, s29, $0x38;
	[tilespmem:$0x16400] =	vst v63  }
0xe6: {  	s19 =	sadd.s32 $0x580, s17  }
0xe7: {  	[tilespmem:s26], [sflag:$0x5] =	stream.indirect.gather [hbm4b:s3+s20], $0x40, s19, s20, $0xb8;
	[tilespmem:$0x16400] =	vst v63  }
0xe8: {  	_ =	swait.ge [sflag:s28], $0x2000  }
0xe9: {  	[sflag:s28] =	ssyncset.done $0x0  }
0xea: {  	[sflag:s28] =	ssyncadd.s32 $0xFFFFE000  }
0xeb: {  	_ =	swait.ge [sflag:s6], $0x2000  }
0xec: {  	[sflag:s6] =	ssyncset.done $0x0  }
0xed: {  	s15 =	simm.s32 $0x0;
	[sflag:s6] =	ssyncadd.s32 $0xFFFFE000  }
0xee: {  	v1 =	vld [tilespmem:s15+$0x6430]  }
0xef: {  	v2 =	vld [tilespmem:s15+$0x6400]  }
0xf0: {  	v3 =	vld [tilespmem:s15+$0x6410]  }
0xf1: {  	v0 =	vld [tilespmem:s15+$0x6420]  }
0xf2: {  	s5 =	simm.s32 $0x100  }
.LBB2_20:
0xf3: {  	s14 =	sshra.s32 s5, $0x2;
	p0 =	sne.s32 s5, $0x7F00;
	s5 =	sadd.s32 $0x100, s5;
	v4 =	vmul.f32 $8.000000000e+00, v1  }
.Ltmp9:
0xf4: {  	v1 =	vld [tilespmem:s14+$0x6430];
	v5 =	vmul.f32 $8.000000000e+00, v2;
	(pc) =	sbr.rel @p0 .LBB2_20-.Ltmp9, $4  }
0xf5: {  	v2 =	vld [tilespmem:s14+$0x6400];
	v6 =	vmul.f32 $8.000000000e+00, v3;
	[tilespmem:s15+$0xE430] =	vst v4  }
0xf6: {  	v3 =	vld [tilespmem:s14+$0x6410];
	[tilespmem:s15+$0xE400] =	vst v5;
	v4 =	vmul.f32 $8.000000000e+00, v0  }
0xf7: {  	v0 =	vld [tilespmem:s14+$0x6420];
	[tilespmem:s15+$0xE410] =	vst v6  }
0xf8: {  	[tilespmem:s15+$0xE420] =	vst v4;
	s15 =	smov.u32 s14  }
0xf9: {  	v1 =	vmul.f32 $8.000000000e+00, v1  }
0xfa: {  	v2 =	vmul.f32 $8.000000000e+00, v2  }
0xfb: {  	v3 =	vmul.f32 $8.000000000e+00, v3;
	[tilespmem:s15+$0xE430] =	vst v1  }
0xfc: {  	[tilespmem:s15+$0xE400] =	vst v2;
	v0 =	vmul.f32 $8.000000000e+00, v0  }
0xfd: {  	[tilespmem:s15+$0xE410] =	vst v3  }
0xfe: {  	s5 =	rddreg [dreg:$0x8];
	[tilespmem:s15+$0xE420] =	vst v0  }
0xff: {  	[hbm4b:s5+s29] =	stream.strided.scatter [tilespmem:s30], [sflag:$0x6], $0x2000, s20, s29, $0x38;
	[tilespmem:$0x16400] =	vst v63  }
0x100: {  	_ =	swait.ge [sflag:s1], $0x2000  }
0x101: {  	[sflag:s1] =	ssyncset.done $0x0  }
0x102: {  	[sflag:s1] =	ssyncadd.s32 $0xFFFFE000  }
0x103: {  	_ =	swait.ge [sflag:s7], $0x2000  }
0x104: {  	[sflag:s7] =	ssyncset.done $0x0  }
0x105: {  	s15 =	simm.s32 $0x0;
	[sflag:s7] =	ssyncadd.s32 $0xFFFFE000  }
0x106: {  	v1 =	vld [tilespmem:s15+$0x8430]  }
0x107: {  	v2 =	vld [tilespmem:s15+$0x8400]  }
0x108: {  	v3 =	vld [tilespmem:s15+$0x8410]  }
0x109: {  	v0 =	vld [tilespmem:s15+$0x8420]  }
0x10a: {  	s5 =	simm.s32 $0x100  }
.LBB2_22:
0x10b: {  	s14 =	sshra.s32 s5, $0x2;
	p0 =	sne.s32 s5, $0x7F00;
	s5 =	sadd.s32 $0x100, s5;
	v4 =	vmul.f32 $8.000000000e+00, v1  }
.Ltmp10:
0x10c: {  	v1 =	vld [tilespmem:s14+$0x8430];
	v5 =	vmul.f32 $8.000000000e+00, v2;
	(pc) =	sbr.rel @p0 .LBB2_22-.Ltmp10, $4  }
0x10d: {  	v2 =	vld [tilespmem:s14+$0x8400];
	v6 =	vmul.f32 $8.000000000e+00, v3;
	[tilespmem:s15+$0x10430] =	vst v4  }
0x10e: {  	v3 =	vld [tilespmem:s14+$0x8410];
	[tilespmem:s15+$0x10400] =	vst v5;
	v4 =	vmul.f32 $8.000000000e+00, v0  }
0x10f: {  	v0 =	vld [tilespmem:s14+$0x8420];
	[tilespmem:s15+$0x10410] =	vst v6  }
0x110: {  	[tilespmem:s15+$0x10420] =	vst v4;
	s15 =	smov.u32 s14  }
0x111: {  	v1 =	vmul.f32 $8.000000000e+00, v1  }
0x112: {  	v2 =	vmul.f32 $8.000000000e+00, v2  }
0x113: {  	v3 =	vmul.f32 $8.000000000e+00, v3;
	[tilespmem:s15+$0x10430] =	vst v1  }
0x114: {  	[tilespmem:s15+$0x10400] =	vst v2;
	v0 =	vmul.f32 $8.000000000e+00, v0  }
0x115: {  	[tilespmem:s15+$0x10410] =	vst v3  }
0x116: {  	s5 =	rddreg [dreg:$0x9];
	[tilespmem:s15+$0x10420] =	vst v0  }
0x117: {  	[hbm4b:s5+s29] =	stream.strided.scatter [tilespmem:s0], [sflag:$0x7], $0x2000, s20, s29, $0x38;
	[tilespmem:$0x16400] =	vst v63  }
0x118: {  	_ =	swait.ge [sflag:s25], $0x2000  }
0x119: {  	[sflag:s25] =	ssyncset.done $0x0  }
0x11a: {  	[sflag:s25] =	ssyncadd.s32 $0xFFFFE000  }
0x11b: {  	_ =	swait.ge [sflag:s8], $0x2000  }
0x11c: {  	[sflag:s8] =	ssyncset.done $0x0  }
0x11d: {  	s15 =	simm.s32 $0x0;
	[sflag:s8] =	ssyncadd.s32 $0xFFFFE000  }
0x11e: {  	v1 =	vld [tilespmem:s15+$0xA430]  }
0x11f: {  	v2 =	vld [tilespmem:s15+$0xA400]  }
0x120: {  	v3 =	vld [tilespmem:s15+$0xA410]  }
0x121: {  	v0 =	vld [tilespmem:s15+$0xA420]  }
0x122: {  	s5 =	simm.s32 $0x100  }
.LBB2_24:
0x123: {  	s14 =	sshra.s32 s5, $0x2;
	p0 =	sne.s32 s5, $0x7F00;
	s5 =	sadd.s32 $0x100, s5;
	v4 =	vmul.f32 $8.000000000e+00, v1  }
.Ltmp11:
0x124: {  	v1 =	vld [tilespmem:s14+$0xA430];
	v5 =	vmul.f32 $8.000000000e+00, v2;
	(pc) =	sbr.rel @p0 .LBB2_24-.Ltmp11, $4  }
0x125: {  	v2 =	vld [tilespmem:s14+$0xA400];
	v6 =	vmul.f32 $8.000000000e+00, v3;
	[tilespmem:s15+$0x12430] =	vst v4  }
0x126: {  	v3 =	vld [tilespmem:s14+$0xA410];
	[tilespmem:s15+$0x12400] =	vst v5;
	v4 =	vmul.f32 $8.000000000e+00, v0  }
0x127: {  	v0 =	vld [tilespmem:s14+$0xA420];
	[tilespmem:s15+$0x12410] =	vst v6  }
0x128: {  	[tilespmem:s15+$0x12420] =	vst v4;
	s15 =	smov.u32 s14  }
0x129: {  	v1 =	vmul.f32 $8.000000000e+00, v1  }
0x12a: {  	v2 =	vmul.f32 $8.000000000e+00, v2  }
0x12b: {  	v3 =	vmul.f32 $8.000000000e+00, v3;
	[tilespmem:s15+$0x12430] =	vst v1  }
0x12c: {  	[tilespmem:s15+$0x12400] =	vst v2;
	v0 =	vmul.f32 $8.000000000e+00, v0  }
0x12d: {  	[tilespmem:s15+$0x12410] =	vst v3  }
0x12e: {  	s5 =	rddreg [dreg:$0xa];
	[tilespmem:s15+$0x12420] =	vst v0  }
0x12f: {  	[hbm4b:s5+s29] =	stream.strided.scatter [tilespmem:s31], [sflag:$0x8], $0x2000, s20, s29, $0x38;
	[tilespmem:$0x16400] =	vst v63  }
0x130: {  	_ =	swait.ge [sflag:s23], $0x2000  }
0x131: {  	[sflag:s23] =	ssyncset.done $0x0  }
0x132: {  	[sflag:s23] =	ssyncadd.s32 $0xFFFFE000  }
0x133: {  	_ =	swait.ge [sflag:s9], $0x2000  }
0x134: {  	[sflag:s9] =	ssyncset.done $0x0  }
0x135: {  	s15 =	simm.s32 $0x0;
	[sflag:s9] =	ssyncadd.s32 $0xFFFFE000  }
0x136: {  	v1 =	vld [tilespmem:s15+$0xC430]  }
0x137: {  	v2 =	vld [tilespmem:s15+$0xC400]  }
0x138: {  	v3 =	vld [tilespmem:s15+$0xC410]  }
0x139: {  	v0 =	vld [tilespmem:s15+$0xC420]  }
0x13a: {  	s5 =	simm.s32 $0x100  }
.LBB2_26:
0x13b: {  	s14 =	sshra.s32 s5, $0x2;
	p0 =	sne.s32 s5, $0x7F00;
	s5 =	sadd.s32 $0x100, s5;
	v4 =	vmul.f32 $8.000000000e+00, v1  }
.Ltmp12:
0x13c: {  	v1 =	vld [tilespmem:s14+$0xC430];
	v5 =	vmul.f32 $8.000000000e+00, v2;
	(pc) =	sbr.rel @p0 .LBB2_26-.Ltmp12, $4  }
0x13d: {  	v2 =	vld [tilespmem:s14+$0xC400];
	v6 =	vmul.f32 $8.000000000e+00, v3;
	[tilespmem:s15+$0x14430] =	vst v4  }
0x13e: {  	v3 =	vld [tilespmem:s14+$0xC410];
	[tilespmem:s15+$0x14400] =	vst v5;
	v4 =	vmul.f32 $8.000000000e+00, v0  }
0x13f: {  	v0 =	vld [tilespmem:s14+$0xC420];
	[tilespmem:s15+$0x14410] =	vst v6  }
0x140: {  	[tilespmem:s15+$0x14420] =	vst v4;
	s15 =	smov.u32 s14  }
0x141: {  	v1 =	vmul.f32 $8.000000000e+00, v1  }
0x142: {  	v2 =	vmul.f32 $8.000000000e+00, v2  }
0x143: {  	v3 =	vmul.f32 $8.000000000e+00, v3;
	[tilespmem:s15+$0x14430] =	vst v1  }
0x144: {  	[tilespmem:s15+$0x14400] =	vst v2;
	v0 =	vmul.f32 $8.000000000e+00, v0  }
0x145: {  	[tilespmem:s15+$0x14410] =	vst v3  }
0x146: {  	s5 =	rddreg [dreg:$0xb];
	[tilespmem:s15+$0x14420] =	vst v0  }
0x147: {  	[hbm4b:s5+s29] =	stream.strided.scatter [tilespmem:s2], [sflag:$0x9], $0x2000, s20, s29, $0x38;
	[tilespmem:$0x16400] =	vst v63  }
0x148: {  	_ =	swait.ge [sflag:s6], $0x2000  }
0x149: {  	[sflag:s6] =	ssyncset.done $0x0  }
0x14a: {  	[sflag:s6] =	ssyncadd.s32 $0xFFFFE000  }
0x14b: {  	_ =	swait.ge [sflag:s7], $0x2000  }
0x14c: {  	[sflag:s7] =	ssyncset.done $0x0  }
0x14d: {  	[sflag:s7] =	ssyncadd.s32 $0xFFFFE000  }
0x14e: {  	_ =	swait.ge [sflag:s8], $0x2000  }
0x14f: {  	[sflag:s8] =	ssyncset.done $0x0  }
0x150: {  	[sflag:s8] =	ssyncadd.s32 $0xFFFFE000  }
0x151: {  	_ =	swait.ge [sflag:s9], $0x2000  }
0x152: {  	s14 =	rddreg [dreg:$0xd]  }
0x153: {  	s19 =	rddreg [dreg:$0xc];
	s14 =	sadd.s32 $0x1, s14  }
0x154: {  	p0 =	sne.s32 s14, s19  }
.Ltmp13:
0x155: {  	_ = 	snop;
	(pc) =	sbr.rel @p0 .LBB2_1-.Ltmp13, $3  }
0x156: {  	_ =	sdelay $0x1  }
0x157: {  	[sflag:s9] =	ssyncset.done $0x0  }
0x158: {  	[sflag:s9] =	ssyncadd.s32 $0xFFFFE000  }
0x159: {  	_ =	sfence.sel $0x180000  }
0x15a: {  	[bflag:$0x0] =	sbarrier.arrive $0xFFFF  }
0x15b: {  	_ =	strace $0x90000047  }
0x15c: {  	s0 =	stileid.u32;
	[bflag:$0x2] =	sbarrier.arrive $0xFFFF  }
0x15d: {  	p0 =	sne.s32 s0, $0x0;
	s0 =	rddreg [dreg:$0x2]  }
0x15e: {  	s0 =	sadd.s32 @!p0 $0x100000, s0  }
0x15f: {  	[sflag:s0] =	ssyncadd.tile.s32 @!p0 $0x1;
	_ =	shalt  }
.Lfunc_end2:
_tile_overlayer_lowered:
.L_overlay_start_2:
0x160: {  	(tag) =	ssettag $0x2  }
0x161: {  	s0 =	rddreg [dreg:$0x0];
	s2 =	stileid.u32  }
0x162: {  	s1 =	rddreg [dreg:$0x1];
	p0 =	sne.s32 s2, $0x0  }
0x163: {  	s3 =	rddreg [dreg:$0x2];
	[bflag:$0x3] =	sbarrier.arrive $0xFFFF;
	s2 =	simm.s32 @!p0 $0x1C0A  }
0x164: {  	[timem:s3], [sflag:s2] =	dma.local @!p0 [hbm:s0], s1  }
0x165: {  	s0 =	simm.s32 @!p0 $0xA  }
0x166: {  	_ =	swait.ge @!p0 [sflag:s0], s1  }
0x167: {  	s1 =	ssub.s32 @!p0 $0x0, s1;
	[sflag:s0] =	ssyncset.done @!p0 $0x0  }
0x168: {  	[sflag:s0] =	ssyncadd.s32 @!p0 s1  }
0x169: {  	[bflag:$0x3] =	sbarrier.arrive $0xFFFF  }
0x16a: {  	_ =	shalt  }

// kernel: sparse-core-data-format-call.cloned.1.call-start
scs
called_computation_lowered:
.L_overlay_start_0:
0x0: {  	s2 =	sld [smem:$0x3FD9]  }
0x1: {  	s3 =	sld [smem:$0x3FFE];
	_ =	sdelay $0x1  }
0x2: {  	s1 =	srdreg.scid  }
0x3: {  	s0 =	sand.u32 $0x1, s1  }
0x4: {  	s18 =	sshll.u32 s0, $0xA;
	s2 =	sadd.s32 s3, s2  }
0x5: {  	s2 =	sadd.s32 s2, s18  }
0x6: {  	[smem:$0x3FC6] =	sst s2  }
0x7: {  	_ = 	snop  }
0x8: {  	s2 =	sld [smem:$0x3FD0];
	(tm) =	ssettm $0x1  }
0x9: {  	s19 =	sld [smem:$0x3FFB];
	_ =	sdelay $0x3  }
0xa: {  	_ =	strace s19  }
0xb: {  	s3 =	sld [smem:$0x3FFC];
	_ =	sdelay $0x3  }
0xc: {  	_ =	strace s3  }
0xd: {  	s3 =	sld [smem:$0x3FFD];
	_ =	sdelay $0x3  }
0xe: {  	_ =	strace s3  }
0xf: {  	_ =	strace $0x8FFFFFFF  }
0x10: {  	s20 =	sld [smem:$0x3FDB];
	_ =	sdelay $0x1  }
0x11: {  	s4 =	simm.s32 $_scs_section_size  }
0x12: {  	s5 =	simm.s32 $_size__tile_overlayer_lowered;
	s6 =	simm.s32 $_tile_overlayer_lowered  }
0x13: {  	s23 =	simm.s32 $0x1BFF;
	s22 =	sshll.u32 s6, $0x1;
	s3 =	sadd.s32 s4, s20  }
0x14: {  	s7 =	simm.s32 $0x0;
	s21 =	sshll.u32 s5, $0x1;
	s5 =	sadd.s32 s22, s3  }
0x15: {  	[timem:s7], [sflag:s23] =	dma.local [hbm:s5], s21  }
0x16: {  	_ =	swait.ge [sflag:s23], s21  }
0x17: {  	s4 =	ssub.s32 $0x0, s21;
	[sflag:s23] =	ssyncset.done $0x0  }
0x18: {  	[sflag:s23] =	ssyncadd.s32 s4;
	_ =	sdelay $0x1  }
0x19: {  	s24 =	simm.s32 $0x1B8B  }
0x1a: {  	_ =	swait.ge [sflag:s24], $0x1  }
0x1b: {  	[sflag:s24] =	ssyncset.done $0x0  }
0x1c: {  	s26 =	simm.s32 $0x1B8E;
	s25 =	sld [smem:$0x3FFE];
	[sflag:s24] =	ssyncadd.s32 $0xFFFFFFFF  }
0x1d: {  	s27 =	simm.s32 $execute0_lowered;
	[smem:$0x3FD2] =	sst s26  }
0x1e: {  	s5 =	sshll.u32 s27, $0x1;
	_ =	strace $0x80000049;
	[dreg:$0x1] =	wrdreg $0xFFFFFFFF  }
0x1f: {  	s28 =	simm.s32 $_size_execute0_lowered;
	s3 =	sadd.s32 s3, s5;
	[dreg:$0x0] =	wrdreg $0x0  }
0x20: {  	s5 =	sshll.u32 s28, $0x1;
	[dreg:$0x2] =	wrdreg s3  }
0x21: {  	[dreg:$0x3] =	wrdreg s5  }
0x22: {  	[dreg:$0x4] =	wrdreg $0xC0  }
0x23: {  	_ =	task [dreg:s7], $0x5FFFF  }
0x24: {  	[dreg:$0x1] =	wrdreg $0xFFFFFFFF  }
0x25: {  	[dreg:$0x0] =	wrdreg $0x60  }
0x26: {  	[dreg:$0x2] =	wrdreg s25  }
0x27: {  	[dreg:$0x3] =	wrdreg s2  }
0x28: {  	[dreg:$0x4] =	wrdreg $0x9  }
0x29: {  	_ =	task.clear_ibuf [dreg:s7], $0x5FFFF;
	_ =	strace $0x90000049  }
0x2a: {  	s29 =	simm.s32 $0x9;
	_ =	strace $0x8000004B  }
0x2b: {  	_ =	swait.ge [sflag:s29], $0x1  }
0x2c: {  	[sflag:s29] =	ssyncadd.s32 $0xFFFFFFFF  }
0x2d: {  	_ =	strace $0x9000004B  }
0x2e: {  	_ =	sfence  }
0x2f: {  	s30 =	sld [smem:$0x0];
	_ =	sdelay $0x2  }
0x30: {  	s31 =	sshll.u32 s1, $0xD;
	s1 =	sshrl.u32 s1, $0x2  }
0x31: {  	s3 =	sand.u32 $0x4000, s31;
	s1 =	sadd.s32 s1, s30  }
0x32: {  	s0 =	sor.u32 s3, s0;
	s1 =	sshll.u32 s1, $0x11  }
0x33: {  	s0 =	sor.u32 s1, s0  }
0x34: {  	s0 =	sadd.s32 $0x8F2B, s0  }
0x35: {  	[sflag:s0] =	ssyncadd.remote.s32 $0x1  }
0x36: {  	_ =	sfence.sel $0xFFFF  }
0x37: {  	[dreg:$0x0] =	wrdreg $0xFFFFFFFF;
	(pc) =	sbr.abs _section_cstart, $3  }
0x38: {  	[dreg:$0x1] =	wrdreg $0xFFFFFFFF  }
0x39: {  	_ =	task.clear_ibuf [dreg:s7], $0x2FFFF;
	_ =	strace $0x9FFFFFFF  }
0x3a: {  	(tm) =	ssettm $0x7FFFFFFF  }
0x3b: {  	_ =	shalt  }
tec
execute0_lowered:
.L_overlay_start_1:
0x0: {  	(tag) =	ssettag $0x1  }
0x1: {  	s0 =	srdreg.scid  }
0x2: {  	s1 =	sshll.u32 s0, $0x4  }
0x3: {  	s0 =	stileid.u32;
	s1 =	sand.u32 $0x10, s1  }
0x4: {  	s1 =	sor.u32 s0, s1  }
0x5: {  	s6 =	rddreg [dreg:$0x0];
	s4 =	simm.s32 $0x1;
	s2 =	sshll.u32 s1, $0x7  }
0x6: {  	s7 =	simm.s32 $0x2;
	s12 =	simm.s32 $0x0;
	s1 =	ssub.s32 $0x1000, s2  }
0x7: {  	s8 =	simm.s32 $0x8000;
	s13 =	simm.s32 $0x0;
	s3 =	sand.u32 $0xF80, s1  }
0x8: {  	s9 =	simm.s32 $0x0;
	s5 =	sshrl.u32 s1, $0xC;
	p0 =	sne.s32 s3, $0x0  }
.Ltmp0:
0x9: {  	s1 =	rddreg [dreg:$0x2];
	s4 =	simm.s32 @!p0 $0x0;
	(pc) =	sbr.rel .LBB1_1-.Ltmp0, $4  }
0xa: {  	s11 =	simm.s32 $0x0;
	s3 =	rddreg [dreg:$0x1];
	s5 =	sadd.s32 s4, s5  }
0xb: {  	_ =	strace $0x8000004A;
	s4 =	simm.s32 $0x1;
	s5 =	smul.u32 $0xC8, s5  }
0xc: {  	s6 =	sadd.s32 $0xA00, s6;
	s10 =	smov.u32 s2;
	[sflag:s4] =	ssyncpa.u1 $0x0  }
0xd: {  	p0 =	por $0x0, $0x0;
	[sflag:s7] =	ssyncpa.u1 $0x0;
	s7 =	sor.u32 $0x1, s5  }
.LBB1_4:
0xe: {  	s16 =	sshll.u32 s13, $0x3;
	s17 =	sand.u32 $0x78, s13  }
0xf: {  	s30 =	sand.u32 $0x7E00, s13;
	s12 =	sshll.u32 s12, $0xF;
	s16 =	sand.u32 $0xC00, s16  }
0x10: {  	[tilespmem:s15+$0x810 ss:$0x81] =	vst.msk $0xffff, v2;
	s31 =	sand.u32 $0x7, s13;
	s16 =	sor.u32 s17, s16;
	s17 =	sadd.s32 s3, s30  }
0x11: {  	[tilespmem:s15+$0x1020 ss:$0x81] =	vst.msk $0xffff, v0;
	s13 =	sshll.u32 s31, $0x12;
	s12 =	sadd.s32 s12, s17;
	s16 =	sshrl.u32 s16, $0x3  }
0x12: {  	[tilespmem:s15+$0x0 ss:$0x81] =	vst.msk $0xffff, v1;
	s13 =	sor.u32 $0x400, s13;
	s12 =	sadd.s32 s16, s12  }
0x13: {  	[hbm4b:s12+s13] =	stream.strided.scatter [tilespmem:s14], [sflag:$0x2], $0x2000, s8, s13, $0x20;
	[tilespmem:$0x8080] =	vst v63  }
.LBB1_5:
0x14: {  	s14 =	sadd.s32 $0x1, s9  }
0x15: {  	s12 =	sadd.s32 $0x1000, s10;
	s16 =	smov.u32 s10;
	p2 =	sgt.s32 s14, $0xC7  }
0x16: {  	s16 =	smov.u32 @p2 s12  }
0x17: {  	s14 =	simm.s32 @p2 $0x0;
	p2 =	sgt.s32 s16, $0xFFF  }
0x18: {  	s16 =	smov.u32 @p2 s2;
	p2 =	sne.s32 s11, s7  }
.Ltmp1:
0x19: {  	p1 =	slt.u32 s11, $0x2;
	(pc) =	sbr.rel @!p2 .LBB1_6-.Ltmp1, $4  }
0x1a: {  	s15 =	simm.s32 @!p1 $0x2  }
0x1b: {  	s13 =	smov.u32 s10;
	p0 =	por !p0, !p0;
	_ =	swait.ge @!p1 [sflag:s15], $0x2000  }
0x1c: {  	s12 =	smov.u32 s9;
	[sflag:s15] =	ssyncset.done @!p1 $0x0;
	s9 =	smov.u32 s14  }
0x1d: {  	s11 =	sadd.s32 $0x1, s11;
	[sflag:s15] =	ssyncadd.s32 @!p1 $0xFFFFE000;
	s10 =	smov.u32 s16  }
.LBB1_1:
0x1e: {  	p1 =	sge.u32 s11, s5  }
0x1f: {  	s14 =	sand.u32 @!p1 $0x1FFFFFF, s9  }
0x20: {  	s15 =	smulhi.u32 @!p1 $0x147AE15, s14;
	_ =	sdelay $0x1  }
0x21: {  	s15 =	smul.u32 @!p1 $0xC8, s15  }
0x22: {  	s16 =	sxor.u32 @!p1 $0xFFFFFFFF, s11;
	s17 =	smul.u32 @!p1 $0xC80, s10  }
0x23: {  	s31 =	sadd.s32 $0xFFFFFFFF, s11;
	s16 =	sshll.u32 @!p1 s16, $0xD;
	s14 =	ssub.s32 @!p1 s14, s15  }
0x24: {  	s15 =	sand.u32 @!p1 $0x2000, s16;
	s16 =	sadd.s32 @!p1 s6, s17;
	s14 =	sshll.u32 @!p1 s14, $0x4  }
0x25: {  	s17 =	simm.s32 @!p1 $0x6400;
	s14 =	sadd.s32 @!p1 s14, s16;
	s16 =	simm.s32 @!p1 $0x40  }
0x26: {  	[tilespmem:s15], [sflag:$0x1] =	stream.strided.gather @!p1 [hbm4b:s14+s16], $0x2000, s17, s16, $0x38;
	[tilespmem:$0x8080] =	vst v63  }
0x27: {  	p1 =	sge.u32 s31, s5  }
.Ltmp2:
0x28: {  	_ = 	snop;
	(pc) =	sbr.rel @p1 .LBB1_5-.Ltmp2, $1  }
0x29: {  	_ =	sdelay $0x3  }
0x2a: {  	s14 =	simm.s32 $0x1  }
0x2b: {  	_ =	swait.ge [sflag:s4], $0x2000;
	s14 =	simm.s32 @!p0 $0x0  }
0x2c: {  	[sflag:s4] =	ssyncset.done $0x0;
	s15 =	sshll.u32 s14, $0xD  }
0x2d: {  	[sflag:s4] =	ssyncadd.s32 $0xFFFFE000;
	s18 =	sor.u32 $0x20, s15  }
0x2e: {  	s14 =	smul.u32 $0x8100, s14;
	v3 =	vld [tilespmem:s18+$0x10]  }
0x2f: {  	s30 =	sand.u32 $0x1, s11;
	v2 =	vld [tilespmem:s18+$0xFFFFFFF0]  }
0x30: {  	s15 =	smul.u32 $0x8100, s30;
	s14 =	sshrl.u32 s14, $0x2;
	v0 =	vld [tilespmem:s18+$0x0]  }
0x31: {  	v1 =	vld [tilespmem:s18+$0xFFFFFFE0];
	s16 =	sor.u32 $0x4000, s14  }
0x32: {  	s31 =	sshrl.u32 s15, $0x2;
	s15 =	sadd.s32 $0x0, s16  }
0x33: {  	s17 =	simm.s32 $0x4;
	s18 =	sadd.s32 $0x40, s18;
	s14 =	sor.u32 $0x4000, s31;
	[tilespmem:s15+$0x1830 ss:$0x81] =	vst.msk $0xffff, v3  }
.LBB1_3:
0x34: {  	v3 =	vld [tilespmem:s18+$0x10];
	p1 =	sne.s32 s17, $0x1FC;
	[tilespmem:s15+$0x810 ss:$0x81] =	vst.msk $0xffff, v2;
	s19 =	smov.u32 s17;
	s17 =	sadd.s32 $0x4, s17  }
.Ltmp3:
0x35: {  	v2 =	vld [tilespmem:s18+$0xFFFFFFF0];
	[tilespmem:s15+$0x1020 ss:$0x81] =	vst.msk $0xffff, v0;
	(pc) =	sbr.rel @p1 .LBB1_3-.Ltmp3, $4  }
0x36: {  	v0 =	vld [tilespmem:s18+$0x0];
	[tilespmem:s15+$0x0 ss:$0x81] =	vst.msk $0xffff, v1  }
0x37: {  	s15 =	sshra.s32 s19, $0x2;
	v1 =	vld [tilespmem:s18+$0xFFFFFFE0]  }
0x38: {  	s15 =	sadd.s32 s15, s16  }
0x39: {  	s18 =	sadd.s32 $0x40, s18;
	[tilespmem:s15+$0x1830 ss:$0x81] =	vst.msk $0xffff, v3  }
.Ltmp4:
0x3a: {  	_ = 	snop;
	(pc) =	sbr.rel .LBB1_4-.Ltmp4, $1  }
0x3b: {  	_ =	sdelay $0x3  }
.LBB1_6:
0x3c: {  	_ =	sfence.sel $0x180000  }
0x3d: {  	s2 =	simm.s32 $0x1;
	[bflag:$0x0] =	sbarrier.arrive $0xFFFF  }
0x3e: {  	s31 =	simm.s32 $0x2;
	[sflag:s2] =	ssyncpa.u1 $0x1  }
0x3f: {  	[sflag:s31] =	ssyncpa.u1 $0x1  }
0x40: {  	p0 =	sne.s32 s0, $0x0;
	_ =	strace $0x9000004A  }
0x41: {  	s0 =	sadd.s32 @!p0 $0x100000, s1;
	[bflag:$0x2] =	sbarrier.arrive $0xFFFF  }
0x42: {  	[sflag:s0] =	ssyncadd.tile.s32 @!p0 $0x1;
	_ =	shalt  }
.Lfunc_end1:
_tile_overlayer_lowered:
.L_overlay_start_2:
0x43: {  	(tag) =	ssettag $0x2  }
0x44: {  	s0 =	rddreg [dreg:$0x0];
	s2 =	stileid.u32  }
0x45: {  	s1 =	rddreg [dreg:$0x1];
	p0 =	sne.s32 s2, $0x0  }
0x46: {  	s3 =	rddreg [dreg:$0x2];
	[bflag:$0x3] =	sbarrier.arrive $0xFFFF;
	s2 =	simm.s32 @!p0 $0x1C01  }
0x47: {  	[timem:s3], [sflag:s2] =	dma.local @!p0 [hbm:s0], s1  }
0x48: {  	s0 =	simm.s32 @!p0 $0x1  }
0x49: {  	_ =	swait.ge @!p0 [sflag:s0], s1  }
0x4a: {  	s1 =	ssub.s32 @!p0 $0x0, s1;
	[sflag:s0] =	ssyncset.done @!p0 $0x0  }
0x4b: {  	[sflag:s0] =	ssyncadd.s32 @!p0 s1  }
0x4c: {  	[bflag:$0x3] =	sbarrier.arrive $0xFFFF  }
0x4d: {  	_ =	shalt  }

</sc_bundles>
